<compile_context>
chip_gen: v7x
topology: tpu7x:2x2x1
jax: 0.10.2.dev20260603
libtpu: 0.0.44.dev20260713+nightly
codegen_flags: <defaults>
</compile_context>

<pallas_src>
import functools

import jax
import jax.numpy as jnp
from jax import lax
from jax.experimental import pallas as pl
from jax.experimental.pallas import tpu as pltpu
from jax.experimental.pallas import tpu_sc as plsc

N = 10000
E = 320000
D = 128
NC = 2
NS = 16
NW = NC * NS
EPW = E // NW
CH = 64
IB = 26
NP = IB // 2
NIB = 6
NCH = NIB * IB
TE = EPW - NCH * CH
RPT = 624
TAIL = N - NS * RPT


def _matmul_body(x_ref, w_ref, o_ref):
    o_ref[...] = lax.dot_general(
        x_ref[...], w_ref[...], (((1,), (1,)), ((), ())),
        preferred_element_type=jnp.float32)


def _project(x, W):
    return pl.pallas_call(
        _matmul_body,
        grid=(10,),
        in_specs=[
            pl.BlockSpec((N // 10, D), lambda i: (i, 0)),
            pl.BlockSpec((D, D), lambda i: (0, 0)),
        ],
        out_specs=pl.BlockSpec((N // 10, D), lambda i: (i, 0)),
        out_shape=jax.ShapeDtypeStruct((N, D), jnp.float32),
    )(x, W)


_mesh = plsc.VectorSubcoreMesh(
    core_axis_name="c", subcore_axis_name="s", num_cores=NC, num_subcores=NS)


@functools.partial(
    pl.kernel,
    out_type=jax.ShapeDtypeStruct((NC, N, D), jnp.float32),
    mesh=_mesh,
    scratch_types=[
        pltpu.VMEM((IB, CH), jnp.int32),
        pltpu.VMEM((IB, CH), jnp.int32),
        pltpu.VMEM((1, TE), jnp.int32),
        pltpu.VMEM((1, TE), jnp.int32),
        pltpu.VMEM((CH, D), jnp.float32),
        pltpu.VMEM((CH, D), jnp.float32),
        pltpu.VMEM((CH, D), jnp.float32),
        pltpu.VMEM((CH, D), jnp.float32),
        pltpu.VMEM_SHARED((N, D), jnp.float32),
        pltpu.SemaphoreType.DMA,
        pltpu.SemaphoreType.DMA,
        pltpu.SemaphoreType.DMA,
        pltpu.SemaphoreType.DMA,
        pltpu.SemaphoreType.DMA,
        pltpu.SemaphoreType.DMA,
    ],
)
def _message_pass(xw_hbm, srcm_hbm, dstm_hbm, srct_hbm, dstt_hbm, ea_hbm,
                  out_hbm, src_v, dst_v, srct_v, dstt_v, xj0, xj1, em0,
                  em1, acc, g0, g1, e0, e1, s0, s1):
    c = lax.axis_index("c")
    s = lax.axis_index("s")
    wid = s * NC + c
    ebase = wid * EPW

    xj = (xj0, xj1)
    em = (em0, em1)
    gsem = (g0, g1)
    esem = (e0, e1)
    ssem = (s0, s1)

    zero16 = jnp.zeros((16,), jnp.float32)

    def zero_body(r, zcarry):
        for k in range(D // 16):
            em0[r, pl.ds(k * 16, 16)] = zero16
        return zcarry

    lax.fori_loop(0, CH, zero_body, 0)
    for i in range(RPT // CH):
        pltpu.sync_copy(em0, acc.at[pl.ds(s * RPT + i * CH, CH)])
    rem = RPT - (RPT // CH) * CH
    pltpu.sync_copy(em0.at[pl.ds(0, rem)],
                    acc.at[pl.ds(s * RPT + RPT - rem, rem)])

    @pl.when(s == 0)
    def _():
        pltpu.sync_copy(em0.at[pl.ds(0, TAIL)],
                        acc.at[pl.ds(NS * RPT, TAIL)])

    plsc.subcore_barrier()

    def _wait_gather(a):
        pltpu.make_async_copy(
            xw_hbm.at[pl.ds(0, CH)], xj[a], gsem[a]).wait()

    def _wait_ea(a):
        pltpu.make_async_copy(
            ea_hbm.at[pl.ds(0, CH)], em[a], esem[a]).wait()

    def _wait_scatter(a):
        pltpu.make_async_copy(
            em[a], acc.at[pl.ds(0, CH)], ssem[a]).wait()

    def _issue_ea(j, a):
        pltpu.async_copy(ea_hbm.at[pl.ds(ebase + j * CH, CH)],
                         em[a], esem[a])

    def blk_body(bi, bcarry):
        j0 = bi * IB

        @pl.when(bi > 0)
        def _():
            _wait_scatter(1)

        pltpu.sync_copy(srcm_hbm.at[wid, bi], src_v)
        pltpu.sync_copy(dstm_hbm.at[wid, bi], dst_v)

        pltpu.async_copy(xw_hbm.at[src_v.at[0]], xj0, g0)

        @pl.when(bi == 0)
        def _():
            _issue_ea(0, 0)

        def pair_body(pair, carry):
            for a in (0, 1):
                jj = 2 * pair + a
                j = j0 + jj
                o = 1 - a

                if a == 0:
                    pltpu.async_copy(xw_hbm.at[src_v.at[jj + 1]],
                                     xj[o], gsem[o])
                else:
                    @pl.when(pair < NP - 1)
                    def _():
                        pltpu.async_copy(xw_hbm.at[src_v.at[jj + 1]],
                                         xj[o], gsem[o])

                _wait_gather(a)
                _wait_ea(a)

                xja, ema = xj[a], em[a]

                def row_body(rp, rcarry):
                    for dr in (0, 1):
                        r = 2 * rp + dr
                        for k in range(D // 16):
                            sl = pl.ds(k * 16, 16)
                            ema[r, sl] = jnp.maximum(
                                xja[r, sl] + ema[r, sl], 0.0)
                    return rcarry

                lax.fori_loop(0, CH // 2, row_body, 0)

                if a == 0:
                    @pl.when(pair > 0)
                    def _():
                        _wait_scatter(o)
                else:
                    _wait_scatter(o)

                @pl.when(j + 1 < NCH)
                def _():
                    _issue_ea(j + 1, o)

                pltpu.async_copy(em[a], acc.at[dst_v.at[jj]],
                                 ssem[a], add=True)
            return carry

        lax.fori_loop(0, NP, pair_body, 0)
        return bcarry

    lax.fori_loop(0, NIB, blk_body, 0)
    _wait_scatter(1)

    pltpu.sync_copy(srct_hbm.at[wid], srct_v)
    pltpu.sync_copy(dstt_hbm.at[wid], dstt_v)
    tg = pltpu.async_copy(xw_hbm.at[srct_v.at[0]],
                          xj0.at[pl.ds(0, TE)], g0)
    pltpu.sync_copy(ea_hbm.at[pl.ds(ebase + NCH * CH, TE)],
                    em0.at[pl.ds(0, TE)])
    tg.wait()

    def tail_body(r, rcarry):
        for k in range(D // 16):
            sl = pl.ds(k * 16, 16)
            em0[r, sl] = jnp.maximum(xj0[r, sl] + em0[r, sl], 0.0)
        return rcarry

    lax.fori_loop(0, TE, tail_body, 0)
    pltpu.sync_copy(em0.at[pl.ds(0, TE)], acc.at[dstt_v.at[0]], add=True)
    plsc.subcore_barrier()

    pltpu.sync_copy(acc.at[pl.ds(s * RPT, RPT)],
                    out_hbm.at[c, pl.ds(s * RPT, RPT)])

    @pl.when(s == 0)
    def _():
        pltpu.sync_copy(acc.at[pl.ds(NS * RPT, TAIL)],
                        out_hbm.at[c, pl.ds(NS * RPT, TAIL)])


def _combine_body(p_ref, b_ref, o_ref):
    o_ref[...] = p_ref[0] + p_ref[1] + b_ref[...]


def _combine(partials, b2d):
    return pl.pallas_call(
        _combine_body,
        grid=(10,),
        in_specs=[
            pl.BlockSpec((NC, N // 10, D), lambda i: (0, i, 0)),
            pl.BlockSpec((1, D), lambda i: (0, 0)),
        ],
        out_specs=pl.BlockSpec((N // 10, D), lambda i: (i, 0)),
        out_shape=jax.ShapeDtypeStruct((N, D), jnp.float32),
    )(partials, b2d)


def kernel(x, edge_index, edge_attr, W, b):
    src = edge_index[0].reshape(NW, EPW)
    dst = edge_index[1].reshape(NW, EPW)
    srcm = src[:, :NCH * CH].reshape(NW, NIB, IB, CH)
    dstm = dst[:, :NCH * CH].reshape(NW, NIB, IB, CH)
    srct = src[:, NCH * CH:].reshape(NW, 1, TE)
    dstt = dst[:, NCH * CH:].reshape(NW, 1, TE)
    xw = _project(x, W)
    partials = _message_pass(xw, srcm, dstm, srct, dstt, edge_attr)
    return _combine(partials, b.reshape(1, D))

# --- scband reference (transcript-rebuilt; emitter-appended) ---
"""Pipeline reference for scband-gcnlayer-4638564679685 (READ-ONLY COPY).

The authoritative reference and input builder live on the scoring server;
editing this copy changes nothing except your own understanding.
"""

import jax, jax.numpy as jnp
import numpy as np

N_NODES = 10000
N_EDGES = 320000
D_IN = 128
D_OUT = 128


def setup_inputs(seed: int = 0) -> dict:
    key = jax.random.key(seed)
    k1, k2, k3, k4 = jax.random.split(key, 4)
    x = jax.random.normal(k1, (N_NODES, D_IN), dtype=jnp.float32)
    edge_index = jax.random.randint(k2, (2, N_EDGES), 0, N_NODES, dtype=jnp.int32)
    edge_attr = jax.random.normal(k3, (N_EDGES, D_OUT), dtype=jnp.float32)
    # Learned params: torch.nn.Linear(in, out, bias=False) weight is [out, in];
    # kaiming-uniform-like scale. Separate bias parameter initialized to zeros.
    bound = 1.0 / np.sqrt(D_IN)
    W = jax.random.uniform(k4, (D_OUT, D_IN), dtype=jnp.float32, minval=-bound, maxval=bound)
    b = jnp.zeros((D_OUT,), dtype=jnp.float32)
    return {"x": x, "edge_index": edge_index, "edge_attr": edge_attr, "W": W, "b": b}


def reference(x, edge_index, edge_attr, W, b):
    # GCNConvWithEdges.forward with normalize=False, add_self_loops=False:
    #   x = lin(x); propagate(aggr='add') with message (x_j + edge_attr).relu(); out += bias
    xw = x @ W.T  # [N, D_OUT]
    src = edge_index[0]  # source nodes (x_j), flow source_to_target
    dst = edge_index[1]  # target nodes (aggregation index)
    x_j = jnp.take(xw, src, axis=0)  # gather [E, D_OUT]
    msg = jax.nn.relu(x_j + edge_attr)  # message
    out = jax.ops.segment_sum(msg, dst, num_segments=x.shape[0])  # scatter-add
    out = out + b
    return out

if __name__ == "__main__":
    import jax
    _d = setup_inputs()
    print(jax.jit(kernel)(*tuple(_d.values())))

</pallas_src>

<mosaic_0001>
#map = affine_map<(d0, d1) -> (0, 0)>
#map1 = affine_map<(d0, d1) -> (0, 0, 0, 0)>
#map2 = affine_map<(d0, d1) -> (0, 0, 0)>
module attributes {stable_mosaic.version = 14 : i64} {
  func.func @_message_pass(%arg0: i32, %arg1: i32, %arg2: memref<10000x128xf32, #tpu.memory_space<hbm>>, %arg3: memref<32x6x26x64xi32, #tpu.memory_space<hbm>>, %arg4: memref<32x6x26x64xi32, #tpu.memory_space<hbm>>, %arg5: memref<32x1x16xi32, #tpu.memory_space<hbm>>, %arg6: memref<32x1x16xi32, #tpu.memory_space<hbm>>, %arg7: memref<320000x128xf32, #tpu.memory_space<hbm>>, %arg8: memref<2x10000x128xf32, #tpu.memory_space<hbm>>, %arg9: memref<26x64xi32, #tpu.memory_space<vmem>>, %arg10: memref<26x64xi32, #tpu.memory_space<vmem>>, %arg11: memref<1x16xi32, #tpu.memory_space<vmem>>, %arg12: memref<1x16xi32, #tpu.memory_space<vmem>>, %arg13: memref<64x128xf32, #tpu.memory_space<vmem>>, %arg14: memref<64x128xf32, #tpu.memory_space<vmem>>, %arg15: memref<64x128xf32, #tpu.memory_space<vmem>>, %arg16: memref<64x128xf32, #tpu.memory_space<vmem>>, %arg17: memref<10000x128xf32, #tpu.memory_space<vmem_shared>>, %arg18: memref<!tpu.dma_semaphore, #tpu.memory_space<semaphore_mem>>, %arg19: memref<!tpu.dma_semaphore, #tpu.memory_space<semaphore_mem>>, %arg20: memref<!tpu.dma_semaphore, #tpu.memory_space<semaphore_mem>>, %arg21: memref<!tpu.dma_semaphore, #tpu.memory_space<semaphore_mem>>, %arg22: memref<!tpu.dma_semaphore, #tpu.memory_space<semaphore_mem>>, %arg23: memref<!tpu.dma_semaphore, #tpu.memory_space<semaphore_mem>>) attributes {dimension_semantics = [#tpu.dimension_semantics<core_parallel>, #tpu.dimension_semantics<subcore_parallel>], iteration_bounds = array<i64: 2, 16>, scalar_prefetch = 0 : i64, scratch_operands = 15 : i64, tpu.core_type = #tpu.core_type<sc_vector_subcore>, window_params = [{transform_indices = #map}, {transform_indices = #map1}, {transform_indices = #map1}, {transform_indices = #map2}, {transform_indices = #map2}, {transform_indices = #map}, {transform_indices = #map2}]} {
    %mul3A = arith.constant 2 : i32
    %mul3A_0 = arith.muli %arg1, %mul3A : i32
    %add3A = arith.addi %mul3A_0, %arg0 : i32
    %mul3A_1 = arith.constant 10000 : i32
    %mul3A_2 = arith.muli %add3A, %mul3A_1 : i32
    %broadcast_in_dim3A = arith.constant 0.000000e+00 : f32
    %broadcast_in_dim3A_3 = vector.broadcast %broadcast_in_dim3A : f32 to vector<16xf32>
    %scan3A = arith.constant 0 : i32
    %scan3A_4 = arith.constant 0 : i32
    %scan3A_5 = arith.constant 64 : i32
    %scan3A_6 = arith.addi %scan3A_4, %scan3A_5 : i32
    %scan3A_7 = arith.constant 1 : i32
    scf.for %scan3A_100 = %scan3A_4 to %scan3A_6 step %scan3A_7  : i32 {
      %swap3A = arith.index_cast %scan3A_100 : i32 to index
      %swap3A_101 = arith.constant 0 : index
      %swap3A_102 = tpu.vector_load %arg15[%swap3A, %swap3A_101] {strides = array<i32>} : memref<64x128xf32, #tpu.memory_space<vmem>>, vector<1x16xf32>,
      %swap3A_103 = vector.shape_cast %swap3A_102 : vector<1x16xf32> to vector<16xf32>
      %swap3A_104 = vector.shape_cast %broadcast_in_dim3A_3 : vector<16xf32> to vector<1x16xf32>
      tpu.vector_store %arg15[%swap3A, %swap3A_101], %swap3A_104 {strides = array<i32>} : memref<64x128xf32, #tpu.memory_space<vmem>>, vector<1x16xf32>,
      %swap3A_105 = arith.index_cast %scan3A_100 : i32 to index
      %swap3A_106 = arith.constant 16 : index
      %swap3A_107 = tpu.vector_load %arg15[%swap3A_105, %swap3A_106] {strides = array<i32>} : memref<64x128xf32, #tpu.memory_space<vmem>>, vector<1x16xf32>,
      %swap3A_108 = vector.shape_cast %swap3A_107 : vector<1x16xf32> to vector<16xf32>
      %swap3A_109 = vector.shape_cast %broadcast_in_dim3A_3 : vector<16xf32> to vector<1x16xf32>
      tpu.vector_store %arg15[%swap3A_105, %swap3A_106], %swap3A_109 {strides = array<i32>} : memref<64x128xf32, #tpu.memory_space<vmem>>, vector<1x16xf32>,
      %swap3A_110 = arith.index_cast %scan3A_100 : i32 to index
      %swap3A_111 = arith.constant 32 : index
      %swap3A_112 = tpu.vector_load %arg15[%swap3A_110, %swap3A_111] {strides = array<i32>} : memref<64x128xf32, #tpu.memory_space<vmem>>, vector<1x16xf32>,
      %swap3A_113 = vector.shape_cast %swap3A_112 : vector<1x16xf32> to vector<16xf32>
      %swap3A_114 = vector.shape_cast %broadcast_in_dim3A_3 : vector<16xf32> to vector<1x16xf32>
      tpu.vector_store %arg15[%swap3A_110, %swap3A_111], %swap3A_114 {strides = array<i32>} : memref<64x128xf32, #tpu.memory_space<vmem>>, vector<1x16xf32>,
      %swap3A_115 = arith.index_cast %scan3A_100 : i32 to index
      %swap3A_116 = arith.constant 48 : index
      %swap3A_117 = tpu.vector_load %arg15[%swap3A_115, %swap3A_116] {strides = array<i32>} : memref<64x128xf32, #tpu.memory_space<vmem>>, vector<1x16xf32>,
      %swap3A_118 = vector.shape_cast %swap3A_117 : vector<1x16xf32> to vector<16xf32>
      %swap3A_119 = vector.shape_cast %broadcast_in_dim3A_3 : vector<16xf32> to vector<1x16xf32>
      tpu.vector_store %arg15[%swap3A_115, %swap3A_116], %swap3A_119 {strides = array<i32>} : memref<64x128xf32, #tpu.memory_space<vmem>>, vector<1x16xf32>,
      %swap3A_120 = arith.index_cast %scan3A_100 : i32 to index
      %swap3A_121 = arith.constant 64 : index
      %swap3A_122 = tpu.vector_load %arg15[%swap3A_120, %swap3A_121] {strides = array<i32>} : memref<64x128xf32, #tpu.memory_space<vmem>>, vector<1x16xf32>,
      %swap3A_123 = vector.shape_cast %swap3A_122 : vector<1x16xf32> to vector<16xf32>
      %swap3A_124 = vector.shape_cast %broadcast_in_dim3A_3 : vector<16xf32> to vector<1x16xf32>
      tpu.vector_store %arg15[%swap3A_120, %swap3A_121], %swap3A_124 {strides = array<i32>} : memref<64x128xf32, #tpu.memory_space<vmem>>, vector<1x16xf32>,
      %swap3A_125 = arith.index_cast %scan3A_100 : i32 to index
      %swap3A_126 = arith.constant 80 : index
      %swap3A_127 = tpu.vector_load %arg15[%swap3A_125, %swap3A_126] {strides = array<i32>} : memref<64x128xf32, #tpu.memory_space<vmem>>, vector<1x16xf32>,
      %swap3A_128 = vector.shape_cast %swap3A_127 : vector<1x16xf32> to vector<16xf32>
      %swap3A_129 = vector.shape_cast %broadcast_in_dim3A_3 : vector<16xf32> to vector<1x16xf32>
      tpu.vector_store %arg15[%swap3A_125, %swap3A_126], %swap3A_129 {strides = array<i32>} : memref<64x128xf32, #tpu.memory_space<vmem>>, vector<1x16xf32>,
      %swap3A_130 = arith.index_cast %scan3A_100 : i32 to index
      %swap3A_131 = arith.constant 96 : index
      %swap3A_132 = tpu.vector_load %arg15[%swap3A_130, %swap3A_131] {strides = array<i32>} : memref<64x128xf32, #tpu.memory_space<vmem>>, vector<1x16xf32>,
      %swap3A_133 = vector.shape_cast %swap3A_132 : vector<1x16xf32> to vector<16xf32>
      %swap3A_134 = vector.shape_cast %broadcast_in_dim3A_3 : vector<16xf32> to vector<1x16xf32>
      tpu.vector_store %arg15[%swap3A_130, %swap3A_131], %swap3A_134 {strides = array<i32>} : memref<64x128xf32, #tpu.memory_space<vmem>>, vector<1x16xf32>,
      %swap3A_135 = arith.index_cast %scan3A_100 : i32 to index
      %swap3A_136 = arith.constant 112 : index
      %swap3A_137 = tpu.vector_load %arg15[%swap3A_135, %swap3A_136] {strides = array<i32>} : memref<64x128xf32, #tpu.memory_space<vmem>>, vector<1x16xf32>,
      %swap3A_138 = vector.shape_cast %swap3A_137 : vector<1x16xf32> to vector<16xf32>
      %swap3A_139 = vector.shape_cast %broadcast_in_dim3A_3 : vector<16xf32> to vector<1x16xf32>
      tpu.vector_store %arg15[%swap3A_135, %swap3A_136], %swap3A_139 {strides = array<i32>} : memref<64x128xf32, #tpu.memory_space<vmem>>, vector<1x16xf32>,
    }
    %scan3A_8 = arith.constant 64 : i32
    %mul3A_9 = arith.constant 624 : i32
    %mul3A_10 = arith.muli %arg1, %mul3A_9 : i32
    %add3A_11 = arith.constant 0 : i32
    %add3A_12 = arith.addi %mul3A_10, %add3A_11 : i32
    "tpu.region"() ({
      %run_scoped3A_100 = tpu.sem_alloc : memref<!tpu.dma_semaphore, #tpu.memory_space<semaphore_mem>>
      %dma_start3A_101 = arith.constant 0 : i32
      %dma_start3A_102 = tpu.memref_slice %arg17[%add3A_12, %dma_start3A_101] : memref<10000x128xf32, #tpu.memory_space<vmem_shared>> -> memref<64x128xf32, #tpu.memory_space<vmem_shared>>
      %dma_start3A_103 = arith.constant 0 : i32
      %dma_start3A_104 = tpu.memref_slice %arg17[%add3A_12, %dma_start3A_103] : memref<10000x128xf32, #tpu.memory_space<vmem_shared>> -> memref<64x128xf32, #tpu.memory_space<vmem_shared>>
      tpu.enqueue_dma source(%arg15 : memref<64x128xf32, #tpu.memory_space<vmem>>) target(%dma_start3A_104 : memref<64x128xf32, #tpu.memory_space<vmem_shared>>) target_semaphore(%run_scoped3A_100 : memref<!tpu.dma_semaphore, #tpu.memory_space<semaphore_mem>>)
      %dma_wait3A_105 = arith.constant 0 : i32
      %dma_wait3A_106 = tpu.memref_slice %arg17[%add3A_12, %dma_wait3A_105] : memref<10000x128xf32, #tpu.memory_space<vmem_shared>> -> memref<64x128xf32, #tpu.memory_space<vmem_shared>>
      %dma_wait3A_107 = arith.constant 0 : i32
      %dma_wait3A_108 = tpu.memref_slice %arg17[%add3A_12, %dma_wait3A_107] : memref<10000x128xf32, #tpu.memory_space<vmem_shared>> -> memref<64x128xf32, #tpu.memory_space<vmem_shared>>
      tpu.wait_dma2 semaphore(%run_scoped3A_100 : memref<!tpu.dma_semaphore, #tpu.memory_space<semaphore_mem>>) src(%arg15 : memref<64x128xf32, #tpu.memory_space<vmem>>) dst(%dma_wait3A_108 : memref<64x128xf32, #tpu.memory_space<vmem_shared>>)
      tpu.yield
    }) : () -> ()
    %mul3A_13 = arith.constant 624 : i32
    %mul3A_14 = arith.muli %arg1, %mul3A_13 : i32
    %add3A_15 = arith.constant 64 : i32
    %add3A_16 = arith.addi %mul3A_14, %add3A_15 : i32
    "tpu.region"() ({
      %run_scoped3A_100 = tpu.sem_alloc : memref<!tpu.dma_semaphore, #tpu.memory_space<semaphore_mem>>
      %dma_start3A_101 = arith.constant 0 : i32
      %dma_start3A_102 = tpu.memref_slice %arg17[%add3A_16, %dma_start3A_101] : memref<10000x128xf32, #tpu.memory_space<vmem_shared>> -> memref<64x128xf32, #tpu.memory_space<vmem_shared>>
      %dma_start3A_103 = arith.constant 0 : i32
      %dma_start3A_104 = tpu.memref_slice %arg17[%add3A_16, %dma_start3A_103] : memref<10000x128xf32, #tpu.memory_space<vmem_shared>> -> memref<64x128xf32, #tpu.memory_space<vmem_shared>>
      tpu.enqueue_dma source(%arg15 : memref<64x128xf32, #tpu.memory_space<vmem>>) target(%dma_start3A_104 : memref<64x128xf32, #tpu.memory_space<vmem_shared>>) target_semaphore(%run_scoped3A_100 : memref<!tpu.dma_semaphore, #tpu.memory_space<semaphore_mem>>)
      %dma_wait3A_105 = arith.constant 0 : i32
      %dma_wait3A_106 = tpu.memref_slice %arg17[%add3A_16, %dma_wait3A_105] : memref<10000x128xf32, #tpu.memory_space<vmem_shared>> -> memref<64x128xf32, #tpu.memory_space<vmem_shared>>
      %dma_wait3A_107 = arith.constant 0 : i32
      %dma_wait3A_108 = tpu.memref_slice %arg17[%add3A_16, %dma_wait3A_107] : memref<10000x128xf32, #tpu.memory_space<vmem_shared>> -> memref<64x128xf32, #tpu.memory_space<vmem_shared>>
      tpu.wait_dma2 semaphore(%run_scoped3A_100 : memref<!tpu.dma_semaphore, #tpu.memory_space<semaphore_mem>>) src(%arg15 : memref<64x128xf32, #tpu.memory_space<vmem>>) dst(%dma_wait3A_108 : memref<64x128xf32, #tpu.memory_space<vmem_shared>>)
      tpu.yield
    }) : () -> ()
    %mul3A_17 = arith.constant 624 : i32
    %mul3A_18 = arith.muli %arg1, %mul3A_17 : i32
    %add3A_19 = arith.constant 128 : i32
    %add3A_20 = arith.addi %mul3A_18, %add3A_19 : i32
    "tpu.region"() ({
      %run_scoped3A_100 = tpu.sem_alloc : memref<!tpu.dma_semaphore, #tpu.memory_space<semaphore_mem>>
      %dma_start3A_101 = arith.constant 0 : i32
      %dma_start3A_102 = tpu.memref_slice %arg17[%add3A_20, %dma_start3A_101] : memref<10000x128xf32, #tpu.memory_space<vmem_shared>> -> memref<64x128xf32, #tpu.memory_space<vmem_shared>>
      %dma_start3A_103 = arith.constant 0 : i32
      %dma_start3A_104 = tpu.memref_slice %arg17[%add3A_20, %dma_start3A_103] : memref<10000x128xf32, #tpu.memory_space<vmem_shared>> -> memref<64x128xf32, #tpu.memory_space<vmem_shared>>
      tpu.enqueue_dma source(%arg15 : memref<64x128xf32, #tpu.memory_space<vmem>>) target(%dma_start3A_104 : memref<64x128xf32, #tpu.memory_space<vmem_shared>>) target_semaphore(%run_scoped3A_100 : memref<!tpu.dma_semaphore, #tpu.memory_space<semaphore_mem>>)
      %dma_wait3A_105 = arith.constant 0 : i32
      %dma_wait3A_106 = tpu.memref_slice %arg17[%add3A_20, %dma_wait3A_105] : memref<10000x128xf32, #tpu.memory_space<vmem_shared>> -> memref<64x128xf32, #tpu.memory_space<vmem_shared>>
      %dma_wait3A_107 = arith.constant 0 : i32
      %dma_wait3A_108 = tpu.memref_slice %arg17[%add3A_20, %dma_wait3A_107] : memref<10000x128xf32, #tpu.memory_space<vmem_shared>> -> memref<64x128xf32, #tpu.memory_space<vmem_shared>>
      tpu.wait_dma2 semaphore(%run_scoped3A_100 : memref<!tpu.dma_semaphore, #tpu.memory_space<semaphore_mem>>) src(%arg15 : memref<64x128xf32, #tpu.memory_space<vmem>>) dst(%dma_wait3A_108 : memref<64x128xf32, #tpu.memory_space<vmem_shared>>)
      tpu.yield
    }) : () -> ()
    %mul3A_21 = arith.constant 624 : i32
    %mul3A_22 = arith.muli %arg1, %mul3A_21 : i32
    %add3A_23 = arith.constant 192 : i32
    %add3A_24 = arith.addi %mul3A_22, %add3A_23 : i32
    "tpu.region"() ({
      %run_scoped3A_100 = tpu.sem_alloc : memref<!tpu.dma_semaphore, #tpu.memory_space<semaphore_mem>>
      %dma_start3A_101 = arith.constant 0 : i32
      %dma_start3A_102 = tpu.memref_slice %arg17[%add3A_24, %dma_start3A_101] : memref<10000x128xf32, #tpu.memory_space<vmem_shared>> -> memref<64x128xf32, #tpu.memory_space<vmem_shared>>
      %dma_start3A_103 = arith.constant 0 : i32
      %dma_start3A_104 = tpu.memref_slice %arg17[%add3A_24, %dma_start3A_103] : memref<10000x128xf32, #tpu.memory_space<vmem_shared>> -> memref<64x128xf32, #tpu.memory_space<vmem_shared>>
      tpu.enqueue_dma source(%arg15 : memref<64x128xf32, #tpu.memory_space<vmem>>) target(%dma_start3A_104 : memref<64x128xf32, #tpu.memory_space<vmem_shared>>) target_semaphore(%run_scoped3A_100 : memref<!tpu.dma_semaphore, #tpu.memory_space<semaphore_mem>>)
      %dma_wait3A_105 = arith.constant 0 : i32
      %dma_wait3A_106 = tpu.memref_slice %arg17[%add3A_24, %dma_wait3A_105] : memref<10000x128xf32, #tpu.memory_space<vmem_shared>> -> memref<64x128xf32, #tpu.memory_space<vmem_shared>>
      %dma_wait3A_107 = arith.constant 0 : i32
      %dma_wait3A_108 = tpu.memref_slice %arg17[%add3A_24, %dma_wait3A_107] : memref<10000x128xf32, #tpu.memory_space<vmem_shared>> -> memref<64x128xf32, #tpu.memory_space<vmem_shared>>
      tpu.wait_dma2 semaphore(%run_scoped3A_100 : memref<!tpu.dma_semaphore, #tpu.memory_space<semaphore_mem>>) src(%arg15 : memref<64x128xf32, #tpu.memory_space<vmem>>) dst(%dma_wait3A_108 : memref<64x128xf32, #tpu.memory_space<vmem_shared>>)
      tpu.yield
    }) : () -> ()
    %mul3A_25 = arith.constant 624 : i32
    %mul3A_26 = arith.muli %arg1, %mul3A_25 : i32
    %add3A_27 = arith.constant 256 : i32
    %add3A_28 = arith.addi %mul3A_26, %add3A_27 : i32
    "tpu.region"() ({
      %run_scoped3A_100 = tpu.sem_alloc : memref<!tpu.dma_semaphore, #tpu.memory_space<semaphore_mem>>
      %dma_start3A_101 = arith.constant 0 : i32
      %dma_start3A_102 = tpu.memref_slice %arg17[%add3A_28, %dma_start3A_101] : memref<10000x128xf32, #tpu.memory_space<vmem_shared>> -> memref<64x128xf32, #tpu.memory_space<vmem_shared>>
      %dma_start3A_103 = arith.constant 0 : i32
      %dma_start3A_104 = tpu.memref_slice %arg17[%add3A_28, %dma_start3A_103] : memref<10000x128xf32, #tpu.memory_space<vmem_shared>> -> memref<64x128xf32, #tpu.memory_space<vmem_shared>>
      tpu.enqueue_dma source(%arg15 : memref<64x128xf32, #tpu.memory_space<vmem>>) target(%dma_start3A_104 : memref<64x128xf32, #tpu.memory_space<vmem_shared>>) target_semaphore(%run_scoped3A_100 : memref<!tpu.dma_semaphore, #tpu.memory_space<semaphore_mem>>)
      %dma_wait3A_105 = arith.constant 0 : i32
      %dma_wait3A_106 = tpu.memref_slice %arg17[%add3A_28, %dma_wait3A_105] : memref<10000x128xf32, #tpu.memory_space<vmem_shared>> -> memref<64x128xf32, #tpu.memory_space<vmem_shared>>
      %dma_wait3A_107 = arith.constant 0 : i32
      %dma_wait3A_108 = tpu.memref_slice %arg17[%add3A_28, %dma_wait3A_107] : memref<10000x128xf32, #tpu.memory_space<vmem_shared>> -> memref<64x128xf32, #tpu.memory_space<vmem_shared>>
      tpu.wait_dma2 semaphore(%run_scoped3A_100 : memref<!tpu.dma_semaphore, #tpu.memory_space<semaphore_mem>>) src(%arg15 : memref<64x128xf32, #tpu.memory_space<vmem>>) dst(%dma_wait3A_108 : memref<64x128xf32, #tpu.memory_space<vmem_shared>>)
      tpu.yield
    }) : () -> ()
    %mul3A_29 = arith.constant 624 : i32
    %mul3A_30 = arith.muli %arg1, %mul3A_29 : i32
    %add3A_31 = arith.constant 320 : i32
    %add3A_32 = arith.addi %mul3A_30, %add3A_31 : i32
    "tpu.region"() ({
      %run_scoped3A_100 = tpu.sem_alloc : memref<!tpu.dma_semaphore, #tpu.memory_space<semaphore_mem>>
      %dma_start3A_101 = arith.constant 0 : i32
      %dma_start3A_102 = tpu.memref_slice %arg17[%add3A_32, %dma_start3A_101] : memref<10000x128xf32, #tpu.memory_space<vmem_shared>> -> memref<64x128xf32, #tpu.memory_space<vmem_shared>>
      %dma_start3A_103 = arith.constant 0 : i32
      %dma_start3A_104 = tpu.memref_slice %arg17[%add3A_32, %dma_start3A_103] : memref<10000x128xf32, #tpu.memory_space<vmem_shared>> -> memref<64x128xf32, #tpu.memory_space<vmem_shared>>
      tpu.enqueue_dma source(%arg15 : memref<64x128xf32, #tpu.memory_space<vmem>>) target(%dma_start3A_104 : memref<64x128xf32, #tpu.memory_space<vmem_shared>>) target_semaphore(%run_scoped3A_100 : memref<!tpu.dma_semaphore, #tpu.memory_space<semaphore_mem>>)
      %dma_wait3A_105 = arith.constant 0 : i32
      %dma_wait3A_106 = tpu.memref_slice %arg17[%add3A_32, %dma_wait3A_105] : memref<10000x128xf32, #tpu.memory_space<vmem_shared>> -> memref<64x128xf32, #tpu.memory_space<vmem_shared>>
      %dma_wait3A_107 = arith.constant 0 : i32
      %dma_wait3A_108 = tpu.memref_slice %arg17[%add3A_32, %dma_wait3A_107] : memref<10000x128xf32, #tpu.memory_space<vmem_shared>> -> memref<64x128xf32, #tpu.memory_space<vmem_shared>>
      tpu.wait_dma2 semaphore(%run_scoped3A_100 : memref<!tpu.dma_semaphore, #tpu.memory_space<semaphore_mem>>) src(%arg15 : memref<64x128xf32, #tpu.memory_space<vmem>>) dst(%dma_wait3A_108 : memref<64x128xf32, #tpu.memory_space<vmem_shared>>)
      tpu.yield
    }) : () -> ()
    %mul3A_33 = arith.constant 624 : i32
    %mul3A_34 = arith.muli %arg1, %mul3A_33 : i32
    %add3A_35 = arith.constant 384 : i32
    %add3A_36 = arith.addi %mul3A_34, %add3A_35 : i32
    "tpu.region"() ({
      %run_scoped3A_100 = tpu.sem_alloc : memref<!tpu.dma_semaphore, #tpu.memory_space<semaphore_mem>>
      %dma_start3A_101 = arith.constant 0 : i32
      %dma_start3A_102 = tpu.memref_slice %arg17[%add3A_36, %dma_start3A_101] : memref<10000x128xf32, #tpu.memory_space<vmem_shared>> -> memref<64x128xf32, #tpu.memory_space<vmem_shared>>
      %dma_start3A_103 = arith.constant 0 : i32
      %dma_start3A_104 = tpu.memref_slice %arg17[%add3A_36, %dma_start3A_103] : memref<10000x128xf32, #tpu.memory_space<vmem_shared>> -> memref<64x128xf32, #tpu.memory_space<vmem_shared>>
      tpu.enqueue_dma source(%arg15 : memref<64x128xf32, #tpu.memory_space<vmem>>) target(%dma_start3A_104 : memref<64x128xf32, #tpu.memory_space<vmem_shared>>) target_semaphore(%run_scoped3A_100 : memref<!tpu.dma_semaphore, #tpu.memory_space<semaphore_mem>>)
      %dma_wait3A_105 = arith.constant 0 : i32
      %dma_wait3A_106 = tpu.memref_slice %arg17[%add3A_36, %dma_wait3A_105] : memref<10000x128xf32, #tpu.memory_space<vmem_shared>> -> memref<64x128xf32, #tpu.memory_space<vmem_shared>>
      %dma_wait3A_107 = arith.constant 0 : i32
      %dma_wait3A_108 = tpu.memref_slice %arg17[%add3A_36, %dma_wait3A_107] : memref<10000x128xf32, #tpu.memory_space<vmem_shared>> -> memref<64x128xf32, #tpu.memory_space<vmem_shared>>
      tpu.wait_dma2 semaphore(%run_scoped3A_100 : memref<!tpu.dma_semaphore, #tpu.memory_space<semaphore_mem>>) src(%arg15 : memref<64x128xf32, #tpu.memory_space<vmem>>) dst(%dma_wait3A_108 : memref<64x128xf32, #tpu.memory_space<vmem_shared>>)
      tpu.yield
    }) : () -> ()
    %mul3A_37 = arith.constant 624 : i32
    %mul3A_38 = arith.muli %arg1, %mul3A_37 : i32
    %add3A_39 = arith.constant 448 : i32
    %add3A_40 = arith.addi %mul3A_38, %add3A_39 : i32
    "tpu.region"() ({
      %run_scoped3A_100 = tpu.sem_alloc : memref<!tpu.dma_semaphore, #tpu.memory_space<semaphore_mem>>
      %dma_start3A_101 = arith.constant 0 : i32
      %dma_start3A_102 = tpu.memref_slice %arg17[%add3A_40, %dma_start3A_101] : memref<10000x128xf32, #tpu.memory_space<vmem_shared>> -> memref<64x128xf32, #tpu.memory_space<vmem_shared>>
      %dma_start3A_103 = arith.constant 0 : i32
      %dma_start3A_104 = tpu.memref_slice %arg17[%add3A_40, %dma_start3A_103] : memref<10000x128xf32, #tpu.memory_space<vmem_shared>> -> memref<64x128xf32, #tpu.memory_space<vmem_shared>>
      tpu.enqueue_dma source(%arg15 : memref<64x128xf32, #tpu.memory_space<vmem>>) target(%dma_start3A_104 : memref<64x128xf32, #tpu.memory_space<vmem_shared>>) target_semaphore(%run_scoped3A_100 : memref<!tpu.dma_semaphore, #tpu.memory_space<semaphore_mem>>)
      %dma_wait3A_105 = arith.constant 0 : i32
      %dma_wait3A_106 = tpu.memref_slice %arg17[%add3A_40, %dma_wait3A_105] : memref<10000x128xf32, #tpu.memory_space<vmem_shared>> -> memref<64x128xf32, #tpu.memory_space<vmem_shared>>
      %dma_wait3A_107 = arith.constant 0 : i32
      %dma_wait3A_108 = tpu.memref_slice %arg17[%add3A_40, %dma_wait3A_107] : memref<10000x128xf32, #tpu.memory_space<vmem_shared>> -> memref<64x128xf32, #tpu.memory_space<vmem_shared>>
      tpu.wait_dma2 semaphore(%run_scoped3A_100 : memref<!tpu.dma_semaphore, #tpu.memory_space<semaphore_mem>>) src(%arg15 : memref<64x128xf32, #tpu.memory_space<vmem>>) dst(%dma_wait3A_108 : memref<64x128xf32, #tpu.memory_space<vmem_shared>>)
      tpu.yield
    }) : () -> ()
    %mul3A_41 = arith.constant 624 : i32
    %mul3A_42 = arith.muli %arg1, %mul3A_41 : i32
    %add3A_43 = arith.constant 512 : i32
    %add3A_44 = arith.addi %mul3A_42, %add3A_43 : i32
    "tpu.region"() ({
      %run_scoped3A_100 = tpu.sem_alloc : memref<!tpu.dma_semaphore, #tpu.memory_space<semaphore_mem>>
      %dma_start3A_101 = arith.constant 0 : i32
      %dma_start3A_102 = tpu.memref_slice %arg17[%add3A_44, %dma_start3A_101] : memref<10000x128xf32, #tpu.memory_space<vmem_shared>> -> memref<64x128xf32, #tpu.memory_space<vmem_shared>>
      %dma_start3A_103 = arith.constant 0 : i32
      %dma_start3A_104 = tpu.memref_slice %arg17[%add3A_44, %dma_start3A_103] : memref<10000x128xf32, #tpu.memory_space<vmem_shared>> -> memref<64x128xf32, #tpu.memory_space<vmem_shared>>
      tpu.enqueue_dma source(%arg15 : memref<64x128xf32, #tpu.memory_space<vmem>>) target(%dma_start3A_104 : memref<64x128xf32, #tpu.memory_space<vmem_shared>>) target_semaphore(%run_scoped3A_100 : memref<!tpu.dma_semaphore, #tpu.memory_space<semaphore_mem>>)
      %dma_wait3A_105 = arith.constant 0 : i32
      %dma_wait3A_106 = tpu.memref_slice %arg17[%add3A_44, %dma_wait3A_105] : memref<10000x128xf32, #tpu.memory_space<vmem_shared>> -> memref<64x128xf32, #tpu.memory_space<vmem_shared>>
      %dma_wait3A_107 = arith.constant 0 : i32
      %dma_wait3A_108 = tpu.memref_slice %arg17[%add3A_44, %dma_wait3A_107] : memref<10000x128xf32, #tpu.memory_space<vmem_shared>> -> memref<64x128xf32, #tpu.memory_space<vmem_shared>>
      tpu.wait_dma2 semaphore(%run_scoped3A_100 : memref<!tpu.dma_semaphore, #tpu.memory_space<semaphore_mem>>) src(%arg15 : memref<64x128xf32, #tpu.memory_space<vmem>>) dst(%dma_wait3A_108 : memref<64x128xf32, #tpu.memory_space<vmem_shared>>)
      tpu.yield
    }) : () -> ()
    %mul3A_45 = arith.constant 624 : i32
    %mul3A_46 = arith.muli %arg1, %mul3A_45 : i32
    %add3A_47 = arith.constant 624 : i32
    %add3A_48 = arith.addi %mul3A_46, %add3A_47 : i32
    %sub3A = arith.constant 48 : i32
    %sub3A_49 = arith.subi %add3A_48, %sub3A : i32
    "tpu.region"() ({
      %run_scoped3A_100 = tpu.sem_alloc : memref<!tpu.dma_semaphore, #tpu.memory_space<semaphore_mem>>
      %dma_start3A_101 = arith.constant 0 : i32
      %dma_start3A_102 = arith.constant 0 : i32
      %dma_start3A_103 = tpu.memref_slice %arg15[%dma_start3A_101, %dma_start3A_102] : memref<64x128xf32, #tpu.memory_space<vmem>> -> memref<48x128xf32, #tpu.memory_space<vmem>>
      %dma_start3A_104 = arith.constant 0 : i32
      %dma_start3A_105 = tpu.memref_slice %arg17[%sub3A_49, %dma_start3A_104] : memref<10000x128xf32, #tpu.memory_space<vmem_shared>> -> memref<48x128xf32, #tpu.memory_space<vmem_shared>>
      %dma_start3A_106 = arith.constant 0 : i32
      %dma_start3A_107 = tpu.memref_slice %arg17[%sub3A_49, %dma_start3A_106] : memref<10000x128xf32, #tpu.memory_space<vmem_shared>> -> memref<48x128xf32, #tpu.memory_space<vmem_shared>>
      %dma_start3A_108 = arith.constant 0 : i32
      %dma_start3A_109 = arith.constant 0 : i32
      %dma_start3A_110 = tpu.memref_slice %arg15[%dma_start3A_108, %dma_start3A_109] : memref<64x128xf32, #tpu.memory_space<vmem>> -> memref<48x128xf32, #tpu.memory_space<vmem>>
      tpu.enqueue_dma source(%dma_start3A_110 : memref<48x128xf32, #tpu.memory_space<vmem>>) target(%dma_start3A_107 : memref<48x128xf32, #tpu.memory_space<vmem_shared>>) target_semaphore(%run_scoped3A_100 : memref<!tpu.dma_semaphore, #tpu.memory_space<semaphore_mem>>)
      %dma_wait3A_111 = arith.constant 0 : i32
      %dma_wait3A_112 = arith.constant 0 : i32
      %dma_wait3A_113 = tpu.memref_slice %arg15[%dma_wait3A_111, %dma_wait3A_112] : memref<64x128xf32, #tpu.memory_space<vmem>> -> memref<48x128xf32, #tpu.memory_space<vmem>>
      %dma_wait3A_114 = arith.constant 0 : i32
      %dma_wait3A_115 = tpu.memref_slice %arg17[%sub3A_49, %dma_wait3A_114] : memref<10000x128xf32, #tpu.memory_space<vmem_shared>> -> memref<48x128xf32, #tpu.memory_space<vmem_shared>>
      %dma_wait3A_116 = arith.constant 0 : i32
      %dma_wait3A_117 = tpu.memref_slice %arg17[%sub3A_49, %dma_wait3A_116] : memref<10000x128xf32, #tpu.memory_space<vmem_shared>> -> memref<48x128xf32, #tpu.memory_space<vmem_shared>>
      %dma_wait3A_118 = arith.constant 0 : i32
      %dma_wait3A_119 = arith.constant 0 : i32
      %dma_wait3A_120 = tpu.memref_slice %arg15[%dma_wait3A_118, %dma_wait3A_119] : memref<64x128xf32, #tpu.memory_space<vmem>> -> memref<48x128xf32, #tpu.memory_space<vmem>>
      tpu.wait_dma2 semaphore(%run_scoped3A_100 : memref<!tpu.dma_semaphore, #tpu.memory_space<semaphore_mem>>) src(%dma_wait3A_120 : memref<48x128xf32, #tpu.memory_space<vmem>>) dst(%dma_wait3A_117 : memref<48x128xf32, #tpu.memory_space<vmem_shared>>)
      tpu.yield
    }) : () -> ()
    %eq3A = arith.constant 0 : i32
    %eq3A_50 = arith.cmpi eq, %arg1, %eq3A : i32
    %convert_element_type3A = arith.extui %eq3A_50 : i1 to i32
    %cond3A = arith.constant 0 : i32
    %cond3A_51 = arith.cmpi ne, %convert_element_type3A, %cond3A : i32
    scf.if %cond3A_51 {
      "tpu.region"() ({
        %run_scoped3A_100 = tpu.sem_alloc : memref<!tpu.dma_semaphore, #tpu.memory_space<semaphore_mem>>
        %dma_start3A_101 = arith.constant 0 : i32
        %dma_start3A_102 = arith.constant 0 : i32
        %dma_start3A_103 = tpu.memref_slice %arg15[%dma_start3A_101, %dma_start3A_102] : memref<64x128xf32, #tpu.memory_space<vmem>> -> memref<16x128xf32, #tpu.memory_space<vmem>>
        %dma_start3A_104 = arith.constant 9984 : i32
        %dma_start3A_105 = arith.constant 0 : i32
        %dma_start3A_106 = tpu.memref_slice %arg17[%dma_start3A_104, %dma_start3A_105] : memref<10000x128xf32, #tpu.memory_space<vmem_shared>> -> memref<16x128xf32, #tpu.memory_space<vmem_shared>>
        %dma_start3A_107 = arith.constant 9984 : i32
        %dma_start3A_108 = arith.constant 0 : i32
        %dma_start3A_109 = tpu.memref_slice %arg17[%dma_start3A_107, %dma_start3A_108] : memref<10000x128xf32, #tpu.memory_space<vmem_shared>> -> memref<16x128xf32, #tpu.memory_space<vmem_shared>>
        %dma_start3A_110 = arith.constant 0 : i32
        %dma_start3A_111 = arith.constant 0 : i32
        %dma_start3A_112 = tpu.memref_slice %arg15[%dma_start3A_110, %dma_start3A_111] : memref<64x128xf32, #tpu.memory_space<vmem>> -> memref<16x128xf32, #tpu.memory_space<vmem>>
        tpu.enqueue_dma source(%dma_start3A_112 : memref<16x128xf32, #tpu.memory_space<vmem>>) target(%dma_start3A_109 : memref<16x128xf32, #tpu.memory_space<vmem_shared>>) target_semaphore(%run_scoped3A_100 : memref<!tpu.dma_semaphore, #tpu.memory_space<semaphore_mem>>)
        %dma_wait3A_113 = arith.constant 0 : i32
        %dma_wait3A_114 = arith.constant 0 : i32
        %dma_wait3A_115 = tpu.memref_slice %arg15[%dma_wait3A_113, %dma_wait3A_114] : memref<64x128xf32, #tpu.memory_space<vmem>> -> memref<16x128xf32, #tpu.memory_space<vmem>>
        %dma_wait3A_116 = arith.constant 9984 : i32
        %dma_wait3A_117 = arith.constant 0 : i32
        %dma_wait3A_118 = tpu.memref_slice %arg17[%dma_wait3A_116, %dma_wait3A_117] : memref<10000x128xf32, #tpu.memory_space<vmem_shared>> -> memref<16x128xf32, #tpu.memory_space<vmem_shared>>
        %dma_wait3A_119 = arith.constant 9984 : i32
        %dma_wait3A_120 = arith.constant 0 : i32
        %dma_wait3A_121 = tpu.memref_slice %arg17[%dma_wait3A_119, %dma_wait3A_120] : memref<10000x128xf32, #tpu.memory_space<vmem_shared>> -> memref<16x128xf32, #tpu.memory_space<vmem_shared>>
        %dma_wait3A_122 = arith.constant 0 : i32
        %dma_wait3A_123 = arith.constant 0 : i32
        %dma_wait3A_124 = tpu.memref_slice %arg15[%dma_wait3A_122, %dma_wait3A_123] : memref<64x128xf32, #tpu.memory_space<vmem>> -> memref<16x128xf32, #tpu.memory_space<vmem>>
        tpu.wait_dma2 semaphore(%run_scoped3A_100 : memref<!tpu.dma_semaphore, #tpu.memory_space<semaphore_mem>>) src(%dma_wait3A_124 : memref<16x128xf32, #tpu.memory_space<vmem>>) dst(%dma_wait3A_121 : memref<16x128xf32, #tpu.memory_space<vmem_shared>>)
        tpu.yield
      }) : () -> ()
    } else {
    }
    %barrier3A = arith.constant 0 : index
    tpu.barrier barrier_id(%barrier3A)
    %scan3A_52 = arith.constant 0 : i32
    %scan3A_53 = arith.constant 0 : i32
    %scan3A_54 = arith.constant 6 : i32
    %scan3A_55 = arith.addi %scan3A_53, %scan3A_54 : i32
    %scan3A_56 = arith.constant 1 : i32
    scf.for %scan3A_100 = %scan3A_53 to %scan3A_55 step %scan3A_56  : i32 {
      %mul3A_101 = arith.constant 26 : i32
      %mul3A_102 = arith.muli %scan3A_100, %mul3A_101 : i32
      %gt3A = arith.constant 0 : i32
      %gt3A_103 = arith.cmpi sgt, %scan3A_100, %gt3A : i32
      %convert_element_type3A_104 = arith.extui %gt3A_103 : i1 to i32
      %cond3A_105 = arith.constant 0 : i32
      %cond3A_106 = arith.cmpi ne, %convert_element_type3A_104, %cond3A_105 : i32
      scf.if %cond3A_106 {
        %dma_wait3A_125 = arith.constant 0 : i32
        %dma_wait3A_126 = arith.constant 0 : i32
        %dma_wait3A_127 = tpu.memref_slice %arg17[%dma_wait3A_125, %dma_wait3A_126] : memref<10000x128xf32, #tpu.memory_space<vmem_shared>> -> memref<64x128xf32, #tpu.memory_space<vmem_shared>>
        %dma_wait3A_128 = arith.constant 0 : i32
        %dma_wait3A_129 = arith.constant 0 : i32
        %dma_wait3A_130 = tpu.memref_slice %arg17[%dma_wait3A_128, %dma_wait3A_129] : memref<10000x128xf32, #tpu.memory_space<vmem_shared>> -> memref<64x128xf32, #tpu.memory_space<vmem_shared>>
        tpu.wait_dma2 semaphore(%arg23 : memref<!tpu.dma_semaphore, #tpu.memory_space<semaphore_mem>>) src(%arg16 : memref<64x128xf32, #tpu.memory_space<vmem>>) dst(%dma_wait3A_130 : memref<64x128xf32, #tpu.memory_space<vmem_shared>>)
      } else {
      }
      "tpu.region"() ({
        %run_scoped3A_125 = tpu.sem_alloc : memref<!tpu.dma_semaphore, #tpu.memory_space<semaphore_mem>>
        %dma_start3A_126 = arith.constant 0 : i32
        %dma_start3A_127 = arith.constant 0 : i32
        %dma_start3A_128 = tpu.memref_slice %arg3[%add3A, %scan3A_100, %dma_start3A_126, %dma_start3A_127] : memref<32x6x26x64xi32, #tpu.memory_space<hbm>> -> memref<1x1x26x64xi32, #tpu.memory_space<hbm>>
        %dma_start3A_129 = tpu.memref_squeeze %dma_start3A_128 : memref<1x1x26x64xi32, #tpu.memory_space<hbm>> -> memref<26x64xi32, #tpu.memory_space<hbm>>
        %dma_start3A_130 = arith.constant 0 : i32
        %dma_start3A_131 = arith.constant 0 : i32
        %dma_start3A_132 = tpu.memref_slice %arg3[%add3A, %scan3A_100, %dma_start3A_130, %dma_start3A_131] : memref<32x6x26x64xi32, #tpu.memory_space<hbm>> -> memref<1x1x26x64xi32, #tpu.memory_space<hbm>>
        %dma_start3A_133 = tpu.memref_squeeze %dma_start3A_132 : memref<1x1x26x64xi32, #tpu.memory_space<hbm>> -> memref<26x64xi32, #tpu.memory_space<hbm>>
        tpu.enqueue_dma source(%dma_start3A_133 : memref<26x64xi32, #tpu.memory_space<hbm>>) target(%arg9 : memref<26x64xi32, #tpu.memory_space<vmem>>) target_semaphore(%run_scoped3A_125 : memref<!tpu.dma_semaphore, #tpu.memory_space<semaphore_mem>>)
        %dma_wait3A_134 = arith.constant 0 : i32
        %dma_wait3A_135 = arith.constant 0 : i32
        %dma_wait3A_136 = tpu.memref_slice %arg3[%add3A, %scan3A_100, %dma_wait3A_134, %dma_wait3A_135] : memref<32x6x26x64xi32, #tpu.memory_space<hbm>> -> memref<1x1x26x64xi32, #tpu.memory_space<hbm>>
        %dma_wait3A_137 = tpu.memref_squeeze %dma_wait3A_136 : memref<1x1x26x64xi32, #tpu.memory_space<hbm>> -> memref<26x64xi32, #tpu.memory_space<hbm>>
        %dma_wait3A_138 = arith.constant 0 : i32
        %dma_wait3A_139 = arith.constant 0 : i32
        %dma_wait3A_140 = tpu.memref_slice %arg3[%add3A, %scan3A_100, %dma_wait3A_138, %dma_wait3A_139] : memref<32x6x26x64xi32, #tpu.memory_space<hbm>> -> memref<1x1x26x64xi32, #tpu.memory_space<hbm>>
        %dma_wait3A_141 = tpu.memref_squeeze %dma_wait3A_140 : memref<1x1x26x64xi32, #tpu.memory_space<hbm>> -> memref<26x64xi32, #tpu.memory_space<hbm>>
        tpu.wait_dma2 semaphore(%run_scoped3A_125 : memref<!tpu.dma_semaphore, #tpu.memory_space<semaphore_mem>>) src(%dma_wait3A_141 : memref<26x64xi32, #tpu.memory_space<hbm>>) dst(%arg9 : memref<26x64xi32, #tpu.memory_space<vmem>>)
        tpu.yield
      }) : () -> ()
      "tpu.region"() ({
        %run_scoped3A_125 = tpu.sem_alloc : memref<!tpu.dma_semaphore, #tpu.memory_space<semaphore_mem>>
        %dma_start3A_126 = arith.constant 0 : i32
        %dma_start3A_127 = arith.constant 0 : i32
        %dma_start3A_128 = tpu.memref_slice %arg4[%add3A, %scan3A_100, %dma_start3A_126, %dma_start3A_127] : memref<32x6x26x64xi32, #tpu.memory_space<hbm>> -> memref<1x1x26x64xi32, #tpu.memory_space<hbm>>
        %dma_start3A_129 = tpu.memref_squeeze %dma_start3A_128 : memref<1x1x26x64xi32, #tpu.memory_space<hbm>> -> memref<26x64xi32, #tpu.memory_space<hbm>>
        %dma_start3A_130 = arith.constant 0 : i32
        %dma_start3A_131 = arith.constant 0 : i32
        %dma_start3A_132 = tpu.memref_slice %arg4[%add3A, %scan3A_100, %dma_start3A_130, %dma_start3A_131] : memref<32x6x26x64xi32, #tpu.memory_space<hbm>> -> memref<1x1x26x64xi32, #tpu.memory_space<hbm>>
        %dma_start3A_133 = tpu.memref_squeeze %dma_start3A_132 : memref<1x1x26x64xi32, #tpu.memory_space<hbm>> -> memref<26x64xi32, #tpu.memory_space<hbm>>
        tpu.enqueue_dma source(%dma_start3A_133 : memref<26x64xi32, #tpu.memory_space<hbm>>) target(%arg10 : memref<26x64xi32, #tpu.memory_space<vmem>>) target_semaphore(%run_scoped3A_125 : memref<!tpu.dma_semaphore, #tpu.memory_space<semaphore_mem>>)
        %dma_wait3A_134 = arith.constant 0 : i32
        %dma_wait3A_135 = arith.constant 0 : i32
        %dma_wait3A_136 = tpu.memref_slice %arg4[%add3A, %scan3A_100, %dma_wait3A_134, %dma_wait3A_135] : memref<32x6x26x64xi32, #tpu.memory_space<hbm>> -> memref<1x1x26x64xi32, #tpu.memory_space<hbm>>
        %dma_wait3A_137 = tpu.memref_squeeze %dma_wait3A_136 : memref<1x1x26x64xi32, #tpu.memory_space<hbm>> -> memref<26x64xi32, #tpu.memory_space<hbm>>
        %dma_wait3A_138 = arith.constant 0 : i32
        %dma_wait3A_139 = arith.constant 0 : i32
        %dma_wait3A_140 = tpu.memref_slice %arg4[%add3A, %scan3A_100, %dma_wait3A_138, %dma_wait3A_139] : memref<32x6x26x64xi32, #tpu.memory_space<hbm>> -> memref<1x1x26x64xi32, #tpu.memory_space<hbm>>
        %dma_wait3A_141 = tpu.memref_squeeze %dma_wait3A_140 : memref<1x1x26x64xi32, #tpu.memory_space<hbm>> -> memref<26x64xi32, #tpu.memory_space<hbm>>
        tpu.wait_dma2 semaphore(%run_scoped3A_125 : memref<!tpu.dma_semaphore, #tpu.memory_space<semaphore_mem>>) src(%dma_wait3A_141 : memref<26x64xi32, #tpu.memory_space<hbm>>) dst(%arg10 : memref<26x64xi32, #tpu.memory_space<vmem>>)
        tpu.yield
      }) : () -> ()
      %dma_start3A_107 = arith.constant 0 : i32
      %dma_start3A_108 = arith.constant 0 : i32
      %dma_start3A_109 = tpu.memref_slice %arg9[%dma_start3A_107, %dma_start3A_108] : memref<26x64xi32, #tpu.memory_space<vmem>> -> memref<1x64xi32, #tpu.memory_space<vmem>>
      %dma_start3A_110 = tpu.memref_squeeze %dma_start3A_109 : memref<1x64xi32, #tpu.memory_space<vmem>> -> memref<64xi32, #tpu.memory_space<vmem>>
      %dma_start3A_111 = arith.constant 0 : i32
      %dma_start3A_112 = arith.constant 0 : i32
      %dma_start3A_113 = tpu.memref_slice %arg2[%dma_start3A_111, %dma_start3A_112] : memref<10000x128xf32, #tpu.memory_space<hbm>> -> memref<10000x128xf32, #tpu.memory_space<hbm>>
      tpu.enqueue_indirect_dma source(%dma_start3A_113 : memref<10000x128xf32, #tpu.memory_space<hbm>>) target(%arg13 : memref<64x128xf32, #tpu.memory_space<vmem>>) offsets(%dma_start3A_110 : memref<64xi32, #tpu.memory_space<vmem>>) semaphore(%arg18 : memref<!tpu.dma_semaphore, #tpu.memory_space<semaphore_mem>>)
      %eq3A_114 = arith.constant 0 : i32
      %eq3A_115 = arith.cmpi eq, %scan3A_100, %eq3A_114 : i32
      %convert_element_type3A_116 = arith.extui %eq3A_115 : i1 to i32
      %cond3A_117 = arith.constant 0 : i32
      %cond3A_118 = arith.cmpi ne, %convert_element_type3A_116, %cond3A_117 : i32
      scf.if %cond3A_118 {
        %add3A_125 = arith.constant 0 : i32
        %add3A_126 = arith.addi %mul3A_2, %add3A_125 : i32
        %dma_start3A_127 = arith.constant 0 : i32
        %dma_start3A_128 = tpu.memref_slice %arg7[%add3A_126, %dma_start3A_127] : memref<320000x128xf32, #tpu.memory_space<hbm>> -> memref<64x128xf32, #tpu.memory_space<hbm>>
        %dma_start3A_129 = arith.constant 0 : i32
        %dma_start3A_130 = tpu.memref_slice %arg7[%add3A_126, %dma_start3A_129] : memref<320000x128xf32, #tpu.memory_space<hbm>> -> memref<64x128xf32, #tpu.memory_space<hbm>>
        tpu.enqueue_dma source(%dma_start3A_130 : memref<64x128xf32, #tpu.memory_space<hbm>>) target(%arg15 : memref<64x128xf32, #tpu.memory_space<vmem>>) target_semaphore(%arg20 : memref<!tpu.dma_semaphore, #tpu.memory_space<semaphore_mem>>)
      } else {
      }
      %scan3A_119 = arith.constant 0 : i32
      %scan3A_120 = arith.constant 0 : i32
      %scan3A_121 = arith.constant 13 : i32
      %scan3A_122 = arith.addi %scan3A_120, %scan3A_121 : i32
      %scan3A_123 = arith.constant 1 : i32
      scf.for %scan3A_125 = %scan3A_120 to %scan3A_122 step %scan3A_123  : i32 {
        %mul3A_126 = arith.constant 2 : i32
        %mul3A_127 = arith.muli %mul3A_126, %scan3A_125 : i32
        %add3A_128 = arith.constant 0 : i32
        %add3A_129 = arith.addi %mul3A_127, %add3A_128 : i32
        %add3A_130 = arith.addi %mul3A_102, %add3A_129 : i32
        %add3A_131 = arith.constant 1 : i32
        %add3A_132 = arith.addi %add3A_129, %add3A_131 : i32
        %dma_start3A_133 = arith.constant 0 : i32
        %dma_start3A_134 = tpu.memref_slice %arg9[%add3A_132, %dma_start3A_133] : memref<26x64xi32, #tpu.memory_space<vmem>> -> memref<1x64xi32, #tpu.memory_space<vmem>>
        %dma_start3A_135 = tpu.memref_squeeze %dma_start3A_134 : memref<1x64xi32, #tpu.memory_space<vmem>> -> memref<64xi32, #tpu.memory_space<vmem>>
        %dma_start3A_136 = arith.constant 0 : i32
        %dma_start3A_137 = arith.constant 0 : i32
        %dma_start3A_138 = tpu.memref_slice %arg2[%dma_start3A_136, %dma_start3A_137] : memref<10000x128xf32, #tpu.memory_space<hbm>> -> memref<10000x128xf32, #tpu.memory_space<hbm>>
        tpu.enqueue_indirect_dma source(%dma_start3A_138 : memref<10000x128xf32, #tpu.memory_space<hbm>>) target(%arg14 : memref<64x128xf32, #tpu.memory_space<vmem>>) offsets(%dma_start3A_135 : memref<64xi32, #tpu.memory_space<vmem>>) semaphore(%arg19 : memref<!tpu.dma_semaphore, #tpu.memory_space<semaphore_mem>>)
        %dma_wait3A_139 = arith.constant 0 : i32
        %dma_wait3A_140 = arith.constant 0 : i32
        %dma_wait3A_141 = tpu.memref_slice %arg2[%dma_wait3A_139, %dma_wait3A_140] : memref<10000x128xf32, #tpu.memory_space<hbm>> -> memref<64x128xf32, #tpu.memory_space<hbm>>
        %dma_wait3A_142 = arith.constant 0 : i32
        %dma_wait3A_143 = arith.constant 0 : i32
        %dma_wait3A_144 = tpu.memref_slice %arg2[%dma_wait3A_142, %dma_wait3A_143] : memref<10000x128xf32, #tpu.memory_space<hbm>> -> memref<64x128xf32, #tpu.memory_space<hbm>>
        tpu.wait_dma2 semaphore(%arg18 : memref<!tpu.dma_semaphore, #tpu.memory_space<semaphore_mem>>) src(%dma_wait3A_144 : memref<64x128xf32, #tpu.memory_space<hbm>>) dst(%arg13 : memref<64x128xf32, #tpu.memory_space<vmem>>)
        %dma_wait3A_145 = arith.constant 0 : i32
        %dma_wait3A_146 = arith.constant 0 : i32
        %dma_wait3A_147 = tpu.memref_slice %arg7[%dma_wait3A_145, %dma_wait3A_146] : memref<320000x128xf32, #tpu.memory_space<hbm>> -> memref<64x128xf32, #tpu.memory_space<hbm>>
        %dma_wait3A_148 = arith.constant 0 : i32
        %dma_wait3A_149 = arith.constant 0 : i32
        %dma_wait3A_150 = tpu.memref_slice %arg7[%dma_wait3A_148, %dma_wait3A_149] : memref<320000x128xf32, #tpu.memory_space<hbm>> -> memref<64x128xf32, #tpu.memory_space<hbm>>
        tpu.wait_dma2 semaphore(%arg20 : memref<!tpu.dma_semaphore, #tpu.memory_space<semaphore_mem>>) src(%dma_wait3A_150 : memref<64x128xf32, #tpu.memory_space<hbm>>) dst(%arg15 : memref<64x128xf32, #tpu.memory_space<vmem>>)
        %scan3A_151 = arith.constant 0 : i32
        %scan3A_152 = arith.constant 0 : i32
        %scan3A_153 = arith.constant 32 : i32
        %scan3A_154 = arith.addi %scan3A_152, %scan3A_153 : i32
        %scan3A_155 = arith.constant 1 : i32
        scf.for %scan3A_221 = %scan3A_152 to %scan3A_154 step %scan3A_155  : i32 {
          %mul3A_222 = arith.constant 2 : i32
          %mul3A_223 = arith.muli %mul3A_222, %scan3A_221 : i32
          %add3A_224 = arith.constant 0 : i32
          %add3A_225 = arith.addi %mul3A_223, %add3A_224 : i32
          %get3A = arith.index_cast %add3A_225 : i32 to index
          %get3A_226 = arith.constant 0 : index
          %get3A_227 = tpu.vector_load %arg13[%get3A, %get3A_226] {strides = array<i32>} : memref<64x128xf32, #tpu.memory_space<vmem>>, vector<1x16xf32>,
          %get3A_228 = vector.shape_cast %get3A_227 : vector<1x16xf32> to vector<16xf32>
          %get3A_229 = arith.index_cast %add3A_225 : i32 to index
          %get3A_230 = arith.constant 0 : index
          %get3A_231 = tpu.vector_load %arg15[%get3A_229, %get3A_230] {strides = array<i32>} : memref<64x128xf32, #tpu.memory_space<vmem>>, vector<1x16xf32>,
          %get3A_232 = vector.shape_cast %get3A_231 : vector<1x16xf32> to vector<16xf32>
          %add3A_233 = arith.addf %get3A_228, %get3A_232 : vector<16xf32>
          %max3A = arith.constant 0.000000e+00 : f32
          %max3A_234 = vector.broadcast %max3A : f32 to vector<16xf32>
          %max3A_235 = arith.maximumf %add3A_233, %max3A_234 : vector<16xf32>
          %swap3A = arith.index_cast %add3A_225 : i32 to index
          %swap3A_236 = arith.constant 0 : index
          %swap3A_237 = tpu.vector_load %arg15[%swap3A, %swap3A_236] {strides = array<i32>} : memref<64x128xf32, #tpu.memory_space<vmem>>, vector<1x16xf32>,
          %swap3A_238 = vector.shape_cast %swap3A_237 : vector<1x16xf32> to vector<16xf32>
          %swap3A_239 = vector.shape_cast %max3A_235 : vector<16xf32> to vector<1x16xf32>
          tpu.vector_store %arg15[%swap3A, %swap3A_236], %swap3A_239 {strides = array<i32>} : memref<64x128xf32, #tpu.memory_space<vmem>>, vector<1x16xf32>,
          %get3A_240 = arith.index_cast %add3A_225 : i32 to index
          %get3A_241 = arith.constant 16 : index
          %get3A_242 = tpu.vector_load %arg13[%get3A_240, %get3A_241] {strides = array<i32>} : memref<64x128xf32, #tpu.memory_space<vmem>>, vector<1x16xf32>,
          %get3A_243 = vector.shape_cast %get3A_242 : vector<1x16xf32> to vector<16xf32>
          %get3A_244 = arith.index_cast %add3A_225 : i32 to index
          %get3A_245 = arith.constant 16 : index
          %get3A_246 = tpu.vector_load %arg15[%get3A_244, %get3A_245] {strides = array<i32>} : memref<64x128xf32, #tpu.memory_space<vmem>>, vector<1x16xf32>,
          %get3A_247 = vector.shape_cast %get3A_246 : vector<1x16xf32> to vector<16xf32>
          %add3A_248 = arith.addf %get3A_243, %get3A_247 : vector<16xf32>
          %max3A_249 = arith.constant 0.000000e+00 : f32
          %max3A_250 = vector.broadcast %max3A_249 : f32 to vector<16xf32>
          %max3A_251 = arith.maximumf %add3A_248, %max3A_250 : vector<16xf32>
          %swap3A_252 = arith.index_cast %add3A_225 : i32 to index
          %swap3A_253 = arith.constant 16 : index
          %swap3A_254 = tpu.vector_load %arg15[%swap3A_252, %swap3A_253] {strides = array<i32>} : memref<64x128xf32, #tpu.memory_space<vmem>>, vector<1x16xf32>,
          %swap3A_255 = vector.shape_cast %swap3A_254 : vector<1x16xf32> to vector<16xf32>
          %swap3A_256 = vector.shape_cast %max3A_251 : vector<16xf32> to vector<1x16xf32>
          tpu.vector_store %arg15[%swap3A_252, %swap3A_253], %swap3A_256 {strides = array<i32>} : memref<64x128xf32, #tpu.memory_space<vmem>>, vector<1x16xf32>,
          %get3A_257 = arith.index_cast %add3A_225 : i32 to index
          %get3A_258 = arith.constant 32 : index
          %get3A_259 = tpu.vector_load %arg13[%get3A_257, %get3A_258] {strides = array<i32>} : memref<64x128xf32, #tpu.memory_space<vmem>>, vector<1x16xf32>,
          %get3A_260 = vector.shape_cast %get3A_259 : vector<1x16xf32> to vector<16xf32>
          %get3A_261 = arith.index_cast %add3A_225 : i32 to index
          %get3A_262 = arith.constant 32 : index
          %get3A_263 = tpu.vector_load %arg15[%get3A_261, %get3A_262] {strides = array<i32>} : memref<64x128xf32, #tpu.memory_space<vmem>>, vector<1x16xf32>,
          %get3A_264 = vector.shape_cast %get3A_263 : vector<1x16xf32> to vector<16xf32>
          %add3A_265 = arith.addf %get3A_260, %get3A_264 : vector<16xf32>
          %max3A_266 = arith.constant 0.000000e+00 : f32
          %max3A_267 = vector.broadcast %max3A_266 : f32 to vector<16xf32>
          %max3A_268 = arith.maximumf %add3A_265, %max3A_267 : vector<16xf32>
          %swap3A_269 = arith.index_cast %add3A_225 : i32 to index
          %swap3A_270 = arith.constant 32 : index
          %swap3A_271 = tpu.vector_load %arg15[%swap3A_269, %swap3A_270] {strides = array<i32>} : memref<64x128xf32, #tpu.memory_space<vmem>>, vector<1x16xf32>,
          %swap3A_272 = vector.shape_cast %swap3A_271 : vector<1x16xf32> to vector<16xf32>
          %swap3A_273 = vector.shape_cast %max3A_268 : vector<16xf32> to vector<1x16xf32>
          tpu.vector_store %arg15[%swap3A_269, %swap3A_270], %swap3A_273 {strides = array<i32>} : memref<64x128xf32, #tpu.memory_space<vmem>>, vector<1x16xf32>,
          %get3A_274 = arith.index_cast %add3A_225 : i32 to index
          %get3A_275 = arith.constant 48 : index
          %get3A_276 = tpu.vector_load %arg13[%get3A_274, %get3A_275] {strides = array<i32>} : memref<64x128xf32, #tpu.memory_space<vmem>>, vector<1x16xf32>,
          %get3A_277 = vector.shape_cast %get3A_276 : vector<1x16xf32> to vector<16xf32>
          %get3A_278 = arith.index_cast %add3A_225 : i32 to index
          %get3A_279 = arith.constant 48 : index
          %get3A_280 = tpu.vector_load %arg15[%get3A_278, %get3A_279] {strides = array<i32>} : memref<64x128xf32, #tpu.memory_space<vmem>>, vector<1x16xf32>,
          %get3A_281 = vector.shape_cast %get3A_280 : vector<1x16xf32> to vector<16xf32>
          %add3A_282 = arith.addf %get3A_277, %get3A_281 : vector<16xf32>
          %max3A_283 = arith.constant 0.000000e+00 : f32
          %max3A_284 = vector.broadcast %max3A_283 : f32 to vector<16xf32>
          %max3A_285 = arith.maximumf %add3A_282, %max3A_284 : vector<16xf32>
          %swap3A_286 = arith.index_cast %add3A_225 : i32 to index
          %swap3A_287 = arith.constant 48 : index
          %swap3A_288 = tpu.vector_load %arg15[%swap3A_286, %swap3A_287] {strides = array<i32>} : memref<64x128xf32, #tpu.memory_space<vmem>>, vector<1x16xf32>,
          %swap3A_289 = vector.shape_cast %swap3A_288 : vector<1x16xf32> to vector<16xf32>
          %swap3A_290 = vector.shape_cast %max3A_285 : vector<16xf32> to vector<1x16xf32>
          tpu.vector_store %arg15[%swap3A_286, %swap3A_287], %swap3A_290 {strides = array<i32>} : memref<64x128xf32, #tpu.memory_space<vmem>>, vector<1x16xf32>,
          %get3A_291 = arith.index_cast %add3A_225 : i32 to index
          %get3A_292 = arith.constant 64 : index
          %get3A_293 = tpu.vector_load %arg13[%get3A_291, %get3A_292] {strides = array<i32>} : memref<64x128xf32, #tpu.memory_space<vmem>>, vector<1x16xf32>,
          %get3A_294 = vector.shape_cast %get3A_293 : vector<1x16xf32> to vector<16xf32>
          %get3A_295 = arith.index_cast %add3A_225 : i32 to index
          %get3A_296 = arith.constant 64 : index
          %get3A_297 = tpu.vector_load %arg15[%get3A_295, %get3A_296] {strides = array<i32>} : memref<64x128xf32, #tpu.memory_space<vmem>>, vector<1x16xf32>,
          %get3A_298 = vector.shape_cast %get3A_297 : vector<1x16xf32> to vector<16xf32>
          %add3A_299 = arith.addf %get3A_294, %get3A_298 : vector<16xf32>
          %max3A_300 = arith.constant 0.000000e+00 : f32
          %max3A_301 = vector.broadcast %max3A_300 : f32 to vector<16xf32>
          %max3A_302 = arith.maximumf %add3A_299, %max3A_301 : vector<16xf32>
          %swap3A_303 = arith.index_cast %add3A_225 : i32 to index
          %swap3A_304 = arith.constant 64 : index
          %swap3A_305 = tpu.vector_load %arg15[%swap3A_303, %swap3A_304] {strides = array<i32>} : memref<64x128xf32, #tpu.memory_space<vmem>>, vector<1x16xf32>,
          %swap3A_306 = vector.shape_cast %swap3A_305 : vector<1x16xf32> to vector<16xf32>
          %swap3A_307 = vector.shape_cast %max3A_302 : vector<16xf32> to vector<1x16xf32>
          tpu.vector_store %arg15[%swap3A_303, %swap3A_304], %swap3A_307 {strides = array<i32>} : memref<64x128xf32, #tpu.memory_space<vmem>>, vector<1x16xf32>,
          %get3A_308 = arith.index_cast %add3A_225 : i32 to index
          %get3A_309 = arith.constant 80 : index
          %get3A_310 = tpu.vector_load %arg13[%get3A_308, %get3A_309] {strides = array<i32>} : memref<64x128xf32, #tpu.memory_space<vmem>>, vector<1x16xf32>,
          %get3A_311 = vector.shape_cast %get3A_310 : vector<1x16xf32> to vector<16xf32>
          %get3A_312 = arith.index_cast %add3A_225 : i32 to index
          %get3A_313 = arith.constant 80 : index
          %get3A_314 = tpu.vector_load %arg15[%get3A_312, %get3A_313] {strides = array<i32>} : memref<64x128xf32, #tpu.memory_space<vmem>>, vector<1x16xf32>,
          %get3A_315 = vector.shape_cast %get3A_314 : vector<1x16xf32> to vector<16xf32>
          %add3A_316 = arith.addf %get3A_311, %get3A_315 : vector<16xf32>
          %max3A_317 = arith.constant 0.000000e+00 : f32
          %max3A_318 = vector.broadcast %max3A_317 : f32 to vector<16xf32>
          %max3A_319 = arith.maximumf %add3A_316, %max3A_318 : vector<16xf32>
          %swap3A_320 = arith.index_cast %add3A_225 : i32 to index
          %swap3A_321 = arith.constant 80 : index
          %swap3A_322 = tpu.vector_load %arg15[%swap3A_320, %swap3A_321] {strides = array<i32>} : memref<64x128xf32, #tpu.memory_space<vmem>>, vector<1x16xf32>,
          %swap3A_323 = vector.shape_cast %swap3A_322 : vector<1x16xf32> to vector<16xf32>
          %swap3A_324 = vector.shape_cast %max3A_319 : vector<16xf32> to vector<1x16xf32>
          tpu.vector_store %arg15[%swap3A_320, %swap3A_321], %swap3A_324 {strides = array<i32>} : memref<64x128xf32, #tpu.memory_space<vmem>>, vector<1x16xf32>,
          %get3A_325 = arith.index_cast %add3A_225 : i32 to index
          %get3A_326 = arith.constant 96 : index
          %get3A_327 = tpu.vector_load %arg13[%get3A_325, %get3A_326] {strides = array<i32>} : memref<64x128xf32, #tpu.memory_space<vmem>>, vector<1x16xf32>,
          %get3A_328 = vector.shape_cast %get3A_327 : vector<1x16xf32> to vector<16xf32>
          %get3A_329 = arith.index_cast %add3A_225 : i32 to index
          %get3A_330 = arith.constant 96 : index
          %get3A_331 = tpu.vector_load %arg15[%get3A_329, %get3A_330] {strides = array<i32>} : memref<64x128xf32, #tpu.memory_space<vmem>>, vector<1x16xf32>,
          %get3A_332 = vector.shape_cast %get3A_331 : vector<1x16xf32> to vector<16xf32>
          %add3A_333 = arith.addf %get3A_328, %get3A_332 : vector<16xf32>
          %max3A_334 = arith.constant 0.000000e+00 : f32
          %max3A_335 = vector.broadcast %max3A_334 : f32 to vector<16xf32>
          %max3A_336 = arith.maximumf %add3A_333, %max3A_335 : vector<16xf32>
          %swap3A_337 = arith.index_cast %add3A_225 : i32 to index
          %swap3A_338 = arith.constant 96 : index
          %swap3A_339 = tpu.vector_load %arg15[%swap3A_337, %swap3A_338] {strides = array<i32>} : memref<64x128xf32, #tpu.memory_space<vmem>>, vector<1x16xf32>,
          %swap3A_340 = vector.shape_cast %swap3A_339 : vector<1x16xf32> to vector<16xf32>
          %swap3A_341 = vector.shape_cast %max3A_336 : vector<16xf32> to vector<1x16xf32>
          tpu.vector_store %arg15[%swap3A_337, %swap3A_338], %swap3A_341 {strides = array<i32>} : memref<64x128xf32, #tpu.memory_space<vmem>>, vector<1x16xf32>,
          %get3A_342 = arith.index_cast %add3A_225 : i32 to index
          %get3A_343 = arith.constant 112 : index
          %get3A_344 = tpu.vector_load %arg13[%get3A_342, %get3A_343] {strides = array<i32>} : memref<64x128xf32, #tpu.memory_space<vmem>>, vector<1x16xf32>,
          %get3A_345 = vector.shape_cast %get3A_344 : vector<1x16xf32> to vector<16xf32>
          %get3A_346 = arith.index_cast %add3A_225 : i32 to index
          %get3A_347 = arith.constant 112 : index
          %get3A_348 = tpu.vector_load %arg15[%get3A_346, %get3A_347] {strides = array<i32>} : memref<64x128xf32, #tpu.memory_space<vmem>>, vector<1x16xf32>,
          %get3A_349 = vector.shape_cast %get3A_348 : vector<1x16xf32> to vector<16xf32>
          %add3A_350 = arith.addf %get3A_345, %get3A_349 : vector<16xf32>
          %max3A_351 = arith.constant 0.000000e+00 : f32
          %max3A_352 = vector.broadcast %max3A_351 : f32 to vector<16xf32>
          %max3A_353 = arith.maximumf %add3A_350, %max3A_352 : vector<16xf32>
          %swap3A_354 = arith.index_cast %add3A_225 : i32 to index
          %swap3A_355 = arith.constant 112 : index
          %swap3A_356 = tpu.vector_load %arg15[%swap3A_354, %swap3A_355] {strides = array<i32>} : memref<64x128xf32, #tpu.memory_space<vmem>>, vector<1x16xf32>,
          %swap3A_357 = vector.shape_cast %swap3A_356 : vector<1x16xf32> to vector<16xf32>
          %swap3A_358 = vector.shape_cast %max3A_353 : vector<16xf32> to vector<1x16xf32>
          tpu.vector_store %arg15[%swap3A_354, %swap3A_355], %swap3A_358 {strides = array<i32>} : memref<64x128xf32, #tpu.memory_space<vmem>>, vector<1x16xf32>,
          %mul3A_359 = arith.constant 2 : i32
          %mul3A_360 = arith.muli %mul3A_359, %scan3A_221 : i32
          %add3A_361 = arith.constant 1 : i32
          %add3A_362 = arith.addi %mul3A_360, %add3A_361 : i32
          %get3A_363 = arith.index_cast %add3A_362 : i32 to index
          %get3A_364 = arith.constant 0 : index
          %get3A_365 = tpu.vector_load %arg13[%get3A_363, %get3A_364] {strides = array<i32>} : memref<64x128xf32, #tpu.memory_space<vmem>>, vector<1x16xf32>,
          %get3A_366 = vector.shape_cast %get3A_365 : vector<1x16xf32> to vector<16xf32>
          %get3A_367 = arith.index_cast %add3A_362 : i32 to index
          %get3A_368 = arith.constant 0 : index
          %get3A_369 = tpu.vector_load %arg15[%get3A_367, %get3A_368] {strides = array<i32>} : memref<64x128xf32, #tpu.memory_space<vmem>>, vector<1x16xf32>,
          %get3A_370 = vector.shape_cast %get3A_369 : vector<1x16xf32> to vector<16xf32>
          %add3A_371 = arith.addf %get3A_366, %get3A_370 : vector<16xf32>
          %max3A_372 = arith.constant 0.000000e+00 : f32
          %max3A_373 = vector.broadcast %max3A_372 : f32 to vector<16xf32>
          %max3A_374 = arith.maximumf %add3A_371, %max3A_373 : vector<16xf32>
          %swap3A_375 = arith.index_cast %add3A_362 : i32 to index
          %swap3A_376 = arith.constant 0 : index
          %swap3A_377 = tpu.vector_load %arg15[%swap3A_375, %swap3A_376] {strides = array<i32>} : memref<64x128xf32, #tpu.memory_space<vmem>>, vector<1x16xf32>,
          %swap3A_378 = vector.shape_cast %swap3A_377 : vector<1x16xf32> to vector<16xf32>
          %swap3A_379 = vector.shape_cast %max3A_374 : vector<16xf32> to vector<1x16xf32>
          tpu.vector_store %arg15[%swap3A_375, %swap3A_376], %swap3A_379 {strides = array<i32>} : memref<64x128xf32, #tpu.memory_space<vmem>>, vector<1x16xf32>,
          %get3A_380 = arith.index_cast %add3A_362 : i32 to index
          %get3A_381 = arith.constant 16 : index
          %get3A_382 = tpu.vector_load %arg13[%get3A_380, %get3A_381] {strides = array<i32>} : memref<64x128xf32, #tpu.memory_space<vmem>>, vector<1x16xf32>,
          %get3A_383 = vector.shape_cast %get3A_382 : vector<1x16xf32> to vector<16xf32>
          %get3A_384 = arith.index_cast %add3A_362 : i32 to index
          %get3A_385 = arith.constant 16 : index
          %get3A_386 = tpu.vector_load %arg15[%get3A_384, %get3A_385] {strides = array<i32>} : memref<64x128xf32, #tpu.memory_space<vmem>>, vector<1x16xf32>,
          %get3A_387 = vector.shape_cast %get3A_386 : vector<1x16xf32> to vector<16xf32>
          %add3A_388 = arith.addf %get3A_383, %get3A_387 : vector<16xf32>
          %max3A_389 = arith.constant 0.000000e+00 : f32
          %max3A_390 = vector.broadcast %max3A_389 : f32 to vector<16xf32>
          %max3A_391 = arith.maximumf %add3A_388, %max3A_390 : vector<16xf32>
          %swap3A_392 = arith.index_cast %add3A_362 : i32 to index
          %swap3A_393 = arith.constant 16 : index
          %swap3A_394 = tpu.vector_load %arg15[%swap3A_392, %swap3A_393] {strides = array<i32>} : memref<64x128xf32, #tpu.memory_space<vmem>>, vector<1x16xf32>,
          %swap3A_395 = vector.shape_cast %swap3A_394 : vector<1x16xf32> to vector<16xf32>
          %swap3A_396 = vector.shape_cast %max3A_391 : vector<16xf32> to vector<1x16xf32>
          tpu.vector_store %arg15[%swap3A_392, %swap3A_393], %swap3A_396 {strides = array<i32>} : memref<64x128xf32, #tpu.memory_space<vmem>>, vector<1x16xf32>,
          %get3A_397 = arith.index_cast %add3A_362 : i32 to index
          %get3A_398 = arith.constant 32 : index
          %get3A_399 = tpu.vector_load %arg13[%get3A_397, %get3A_398] {strides = array<i32>} : memref<64x128xf32, #tpu.memory_space<vmem>>, vector<1x16xf32>,
          %get3A_400 = vector.shape_cast %get3A_399 : vector<1x16xf32> to vector<16xf32>
          %get3A_401 = arith.index_cast %add3A_362 : i32 to index
          %get3A_402 = arith.constant 32 : index
          %get3A_403 = tpu.vector_load %arg15[%get3A_401, %get3A_402] {strides = array<i32>} : memref<64x128xf32, #tpu.memory_space<vmem>>, vector<1x16xf32>,
          %get3A_404 = vector.shape_cast %get3A_403 : vector<1x16xf32> to vector<16xf32>
          %add3A_405 = arith.addf %get3A_400, %get3A_404 : vector<16xf32>
          %max3A_406 = arith.constant 0.000000e+00 : f32
          %max3A_407 = vector.broadcast %max3A_406 : f32 to vector<16xf32>
          %max3A_408 = arith.maximumf %add3A_405, %max3A_407 : vector<16xf32>
          %swap3A_409 = arith.index_cast %add3A_362 : i32 to index
          %swap3A_410 = arith.constant 32 : index
          %swap3A_411 = tpu.vector_load %arg15[%swap3A_409, %swap3A_410] {strides = array<i32>} : memref<64x128xf32, #tpu.memory_space<vmem>>, vector<1x16xf32>,
          %swap3A_412 = vector.shape_cast %swap3A_411 : vector<1x16xf32> to vector<16xf32>
          %swap3A_413 = vector.shape_cast %max3A_408 : vector<16xf32> to vector<1x16xf32>
          tpu.vector_store %arg15[%swap3A_409, %swap3A_410], %swap3A_413 {strides = array<i32>} : memref<64x128xf32, #tpu.memory_space<vmem>>, vector<1x16xf32>,
          %get3A_414 = arith.index_cast %add3A_362 : i32 to index
          %get3A_415 = arith.constant 48 : index
          %get3A_416 = tpu.vector_load %arg13[%get3A_414, %get3A_415] {strides = array<i32>} : memref<64x128xf32, #tpu.memory_space<vmem>>, vector<1x16xf32>,
          %get3A_417 = vector.shape_cast %get3A_416 : vector<1x16xf32> to vector<16xf32>
          %get3A_418 = arith.index_cast %add3A_362 : i32 to index
          %get3A_419 = arith.constant 48 : index
          %get3A_420 = tpu.vector_load %arg15[%get3A_418, %get3A_419] {strides = array<i32>} : memref<64x128xf32, #tpu.memory_space<vmem>>, vector<1x16xf32>,
          %get3A_421 = vector.shape_cast %get3A_420 : vector<1x16xf32> to vector<16xf32>
          %add3A_422 = arith.addf %get3A_417, %get3A_421 : vector<16xf32>
          %max3A_423 = arith.constant 0.000000e+00 : f32
          %max3A_424 = vector.broadcast %max3A_423 : f32 to vector<16xf32>
          %max3A_425 = arith.maximumf %add3A_422, %max3A_424 : vector<16xf32>
          %swap3A_426 = arith.index_cast %add3A_362 : i32 to index
          %swap3A_427 = arith.constant 48 : index
          %swap3A_428 = tpu.vector_load %arg15[%swap3A_426, %swap3A_427] {strides = array<i32>} : memref<64x128xf32, #tpu.memory_space<vmem>>, vector<1x16xf32>,
          %swap3A_429 = vector.shape_cast %swap3A_428 : vector<1x16xf32> to vector<16xf32>
          %swap3A_430 = vector.shape_cast %max3A_425 : vector<16xf32> to vector<1x16xf32>
          tpu.vector_store %arg15[%swap3A_426, %swap3A_427], %swap3A_430 {strides = array<i32>} : memref<64x128xf32, #tpu.memory_space<vmem>>, vector<1x16xf32>,
          %get3A_431 = arith.index_cast %add3A_362 : i32 to index
          %get3A_432 = arith.constant 64 : index
          %get3A_433 = tpu.vector_load %arg13[%get3A_431, %get3A_432] {strides = array<i32>} : memref<64x128xf32, #tpu.memory_space<vmem>>, vector<1x16xf32>,
          %get3A_434 = vector.shape_cast %get3A_433 : vector<1x16xf32> to vector<16xf32>
          %get3A_435 = arith.index_cast %add3A_362 : i32 to index
          %get3A_436 = arith.constant 64 : index
          %get3A_437 = tpu.vector_load %arg15[%get3A_435, %get3A_436] {strides = array<i32>} : memref<64x128xf32, #tpu.memory_space<vmem>>, vector<1x16xf32>,
          %get3A_438 = vector.shape_cast %get3A_437 : vector<1x16xf32> to vector<16xf32>
          %add3A_439 = arith.addf %get3A_434, %get3A_438 : vector<16xf32>
          %max3A_440 = arith.constant 0.000000e+00 : f32
          %max3A_441 = vector.broadcast %max3A_440 : f32 to vector<16xf32>
          %max3A_442 = arith.maximumf %add3A_439, %max3A_441 : vector<16xf32>
          %swap3A_443 = arith.index_cast %add3A_362 : i32 to index
          %swap3A_444 = arith.constant 64 : index
          %swap3A_445 = tpu.vector_load %arg15[%swap3A_443, %swap3A_444] {strides = array<i32>} : memref<64x128xf32, #tpu.memory_space<vmem>>, vector<1x16xf32>,
          %swap3A_446 = vector.shape_cast %swap3A_445 : vector<1x16xf32> to vector<16xf32>
          %swap3A_447 = vector.shape_cast %max3A_442 : vector<16xf32> to vector<1x16xf32>
          tpu.vector_store %arg15[%swap3A_443, %swap3A_444], %swap3A_447 {strides = array<i32>} : memref<64x128xf32, #tpu.memory_space<vmem>>, vector<1x16xf32>,
          %get3A_448 = arith.index_cast %add3A_362 : i32 to index
          %get3A_449 = arith.constant 80 : index
          %get3A_450 = tpu.vector_load %arg13[%get3A_448, %get3A_449] {strides = array<i32>} : memref<64x128xf32, #tpu.memory_space<vmem>>, vector<1x16xf32>,
          %get3A_451 = vector.shape_cast %get3A_450 : vector<1x16xf32> to vector<16xf32>
          %get3A_452 = arith.index_cast %add3A_362 : i32 to index
          %get3A_453 = arith.constant 80 : index
          %get3A_454 = tpu.vector_load %arg15[%get3A_452, %get3A_453] {strides = array<i32>} : memref<64x128xf32, #tpu.memory_space<vmem>>, vector<1x16xf32>,
          %get3A_455 = vector.shape_cast %get3A_454 : vector<1x16xf32> to vector<16xf32>
          %add3A_456 = arith.addf %get3A_451, %get3A_455 : vector<16xf32>
          %max3A_457 = arith.constant 0.000000e+00 : f32
          %max3A_458 = vector.broadcast %max3A_457 : f32 to vector<16xf32>
          %max3A_459 = arith.maximumf %add3A_456, %max3A_458 : vector<16xf32>
          %swap3A_460 = arith.index_cast %add3A_362 : i32 to index
          %swap3A_461 = arith.constant 80 : index
          %swap3A_462 = tpu.vector_load %arg15[%swap3A_460, %swap3A_461] {strides = array<i32>} : memref<64x128xf32, #tpu.memory_space<vmem>>, vector<1x16xf32>,
          %swap3A_463 = vector.shape_cast %swap3A_462 : vector<1x16xf32> to vector<16xf32>
          %swap3A_464 = vector.shape_cast %max3A_459 : vector<16xf32> to vector<1x16xf32>
          tpu.vector_store %arg15[%swap3A_460, %swap3A_461], %swap3A_464 {strides = array<i32>} : memref<64x128xf32, #tpu.memory_space<vmem>>, vector<1x16xf32>,
          %get3A_465 = arith.index_cast %add3A_362 : i32 to index
          %get3A_466 = arith.constant 96 : index
          %get3A_467 = tpu.vector_load %arg13[%get3A_465, %get3A_466] {strides = array<i32>} : memref<64x128xf32, #tpu.memory_space<vmem>>, vector<1x16xf32>,
          %get3A_468 = vector.shape_cast %get3A_467 : vector<1x16xf32> to vector<16xf32>
          %get3A_469 = arith.index_cast %add3A_362 : i32 to index
          %get3A_470 = arith.constant 96 : index
          %get3A_471 = tpu.vector_load %arg15[%get3A_469, %get3A_470] {strides = array<i32>} : memref<64x128xf32, #tpu.memory_space<vmem>>, vector<1x16xf32>,
          %get3A_472 = vector.shape_cast %get3A_471 : vector<1x16xf32> to vector<16xf32>
          %add3A_473 = arith.addf %get3A_468, %get3A_472 : vector<16xf32>
          %max3A_474 = arith.constant 0.000000e+00 : f32
          %max3A_475 = vector.broadcast %max3A_474 : f32 to vector<16xf32>
          %max3A_476 = arith.maximumf %add3A_473, %max3A_475 : vector<16xf32>
          %swap3A_477 = arith.index_cast %add3A_362 : i32 to index
          %swap3A_478 = arith.constant 96 : index
          %swap3A_479 = tpu.vector_load %arg15[%swap3A_477, %swap3A_478] {strides = array<i32>} : memref<64x128xf32, #tpu.memory_space<vmem>>, vector<1x16xf32>,
          %swap3A_480 = vector.shape_cast %swap3A_479 : vector<1x16xf32> to vector<16xf32>
          %swap3A_481 = vector.shape_cast %max3A_476 : vector<16xf32> to vector<1x16xf32>
          tpu.vector_store %arg15[%swap3A_477, %swap3A_478], %swap3A_481 {strides = array<i32>} : memref<64x128xf32, #tpu.memory_space<vmem>>, vector<1x16xf32>,
          %get3A_482 = arith.index_cast %add3A_362 : i32 to index
          %get3A_483 = arith.constant 112 : index
          %get3A_484 = tpu.vector_load %arg13[%get3A_482, %get3A_483] {strides = array<i32>} : memref<64x128xf32, #tpu.memory_space<vmem>>, vector<1x16xf32>,
          %get3A_485 = vector.shape_cast %get3A_484 : vector<1x16xf32> to vector<16xf32>
          %get3A_486 = arith.index_cast %add3A_362 : i32 to index
          %get3A_487 = arith.constant 112 : index
          %get3A_488 = tpu.vector_load %arg15[%get3A_486, %get3A_487] {strides = array<i32>} : memref<64x128xf32, #tpu.memory_space<vmem>>, vector<1x16xf32>,
          %get3A_489 = vector.shape_cast %get3A_488 : vector<1x16xf32> to vector<16xf32>
          %add3A_490 = arith.addf %get3A_485, %get3A_489 : vector<16xf32>
          %max3A_491 = arith.constant 0.000000e+00 : f32
          %max3A_492 = vector.broadcast %max3A_491 : f32 to vector<16xf32>
          %max3A_493 = arith.maximumf %add3A_490, %max3A_492 : vector<16xf32>
          %swap3A_494 = arith.index_cast %add3A_362 : i32 to index
          %swap3A_495 = arith.constant 112 : index
          %swap3A_496 = tpu.vector_load %arg15[%swap3A_494, %swap3A_495] {strides = array<i32>} : memref<64x128xf32, #tpu.memory_space<vmem>>, vector<1x16xf32>,
          %swap3A_497 = vector.shape_cast %swap3A_496 : vector<1x16xf32> to vector<16xf32>
          %swap3A_498 = vector.shape_cast %max3A_493 : vector<16xf32> to vector<1x16xf32>
          tpu.vector_store %arg15[%swap3A_494, %swap3A_495], %swap3A_498 {strides = array<i32>} : memref<64x128xf32, #tpu.memory_space<vmem>>, vector<1x16xf32>,
        }
        %scan3A_156 = arith.constant 32 : i32
        %gt3A_157 = arith.constant 0 : i32
        %gt3A_158 = arith.cmpi sgt, %scan3A_125, %gt3A_157 : i32
        %convert_element_type3A_159 = arith.extui %gt3A_158 : i1 to i32
        %cond3A_160 = arith.constant 0 : i32
        %cond3A_161 = arith.cmpi ne, %convert_element_type3A_159, %cond3A_160 : i32
        scf.if %cond3A_161 {
          %dma_wait3A_221 = arith.constant 0 : i32
          %dma_wait3A_222 = arith.constant 0 : i32
          %dma_wait3A_223 = tpu.memref_slice %arg17[%dma_wait3A_221, %dma_wait3A_222] : memref<10000x128xf32, #tpu.memory_space<vmem_shared>> -> memref<64x128xf32, #tpu.memory_space<vmem_shared>>
          %dma_wait3A_224 = arith.constant 0 : i32
          %dma_wait3A_225 = arith.constant 0 : i32
          %dma_wait3A_226 = tpu.memref_slice %arg17[%dma_wait3A_224, %dma_wait3A_225] : memref<10000x128xf32, #tpu.memory_space<vmem_shared>> -> memref<64x128xf32, #tpu.memory_space<vmem_shared>>
          tpu.wait_dma2 semaphore(%arg23 : memref<!tpu.dma_semaphore, #tpu.memory_space<semaphore_mem>>) src(%arg16 : memref<64x128xf32, #tpu.memory_space<vmem>>) dst(%dma_wait3A_226 : memref<64x128xf32, #tpu.memory_space<vmem_shared>>)
        } else {
        }
        %add3A_162 = arith.constant 1 : i32
        %add3A_163 = arith.addi %add3A_130, %add3A_162 : i32
        %lt3A = arith.constant 156 : i32
        %lt3A_164 = arith.cmpi slt, %add3A_163, %lt3A : i32
        %convert_element_type3A_165 = arith.extui %lt3A_164 : i1 to i32
        %cond3A_166 = arith.constant 0 : i32
        %cond3A_167 = arith.cmpi ne, %convert_element_type3A_165, %cond3A_166 : i32
        scf.if %cond3A_167 {
          %add3A_221 = arith.constant 1 : i32
          %add3A_222 = arith.addi %add3A_130, %add3A_221 : i32
          %mul3A_223 = arith.constant 64 : i32
          %mul3A_224 = arith.muli %add3A_222, %mul3A_223 : i32
          %add3A_225 = arith.addi %mul3A_2, %mul3A_224 : i32
          %dma_start3A_226 = arith.constant 0 : i32
          %dma_start3A_227 = tpu.memref_slice %arg7[%add3A_225, %dma_start3A_226] : memref<320000x128xf32, #tpu.memory_space<hbm>> -> memref<64x128xf32, #tpu.memory_space<hbm>>
          %dma_start3A_228 = arith.constant 0 : i32
          %dma_start3A_229 = tpu.memref_slice %arg7[%add3A_225, %dma_start3A_228] : memref<320000x128xf32, #tpu.memory_space<hbm>> -> memref<64x128xf32, #tpu.memory_space<hbm>>
          tpu.enqueue_dma source(%dma_start3A_229 : memref<64x128xf32, #tpu.memory_space<hbm>>) target(%arg16 : memref<64x128xf32, #tpu.memory_space<vmem>>) target_semaphore(%arg21 : memref<!tpu.dma_semaphore, #tpu.memory_space<semaphore_mem>>)
        } else {
        }
        %dma_start3A_168 = arith.constant 0 : i32
        %dma_start3A_169 = tpu.memref_slice %arg10[%add3A_129, %dma_start3A_168] : memref<26x64xi32, #tpu.memory_space<vmem>> -> memref<1x64xi32, #tpu.memory_space<vmem>>
        %dma_start3A_170 = tpu.memref_squeeze %dma_start3A_169 : memref<1x64xi32, #tpu.memory_space<vmem>> -> memref<64xi32, #tpu.memory_space<vmem>>
        %dma_start3A_171 = arith.constant 0 : i32
        %dma_start3A_172 = arith.constant 0 : i32
        %dma_start3A_173 = tpu.memref_slice %arg17[%dma_start3A_171, %dma_start3A_172] : memref<10000x128xf32, #tpu.memory_space<vmem_shared>> -> memref<10000x128xf32, #tpu.memory_space<vmem_shared>>
        tpu.enqueue_indirect_dma source(%arg15 : memref<64x128xf32, #tpu.memory_space<vmem>>) target(%dma_start3A_173 : memref<10000x128xf32, #tpu.memory_space<vmem_shared>>) offsets(%dma_start3A_170 : memref<64xi32, #tpu.memory_space<vmem>>) semaphore(%arg22 : memref<!tpu.dma_semaphore, #tpu.memory_space<semaphore_mem>>) {add = true}
        %mul3A_174 = arith.constant 2 : i32
        %mul3A_175 = arith.muli %mul3A_174, %scan3A_125 : i32
        %add3A_176 = arith.constant 1 : i32
        %add3A_177 = arith.addi %mul3A_175, %add3A_176 : i32
        %add3A_178 = arith.addi %mul3A_102, %add3A_177 : i32
        %lt3A_179 = arith.constant 12 : i32
        %lt3A_180 = arith.cmpi slt, %scan3A_125, %lt3A_179 : i32
        %convert_element_type3A_181 = arith.extui %lt3A_180 : i1 to i32
        %cond3A_182 = arith.constant 0 : i32
        %cond3A_183 = arith.cmpi ne, %convert_element_type3A_181, %cond3A_182 : i32
        scf.if %cond3A_183 {
          %add3A_221 = arith.constant 1 : i32
          %add3A_222 = arith.addi %add3A_177, %add3A_221 : i32
          %dma_start3A_223 = arith.constant 0 : i32
          %dma_start3A_224 = tpu.memref_slice %arg9[%add3A_222, %dma_start3A_223] : memref<26x64xi32, #tpu.memory_space<vmem>> -> memref<1x64xi32, #tpu.memory_space<vmem>>
          %dma_start3A_225 = tpu.memref_squeeze %dma_start3A_224 : memref<1x64xi32, #tpu.memory_space<vmem>> -> memref<64xi32, #tpu.memory_space<vmem>>
          %dma_start3A_226 = arith.constant 0 : i32
          %dma_start3A_227 = arith.constant 0 : i32
          %dma_start3A_228 = tpu.memref_slice %arg2[%dma_start3A_226, %dma_start3A_227] : memref<10000x128xf32, #tpu.memory_space<hbm>> -> memref<10000x128xf32, #tpu.memory_space<hbm>>
          tpu.enqueue_indirect_dma source(%dma_start3A_228 : memref<10000x128xf32, #tpu.memory_space<hbm>>) target(%arg13 : memref<64x128xf32, #tpu.memory_space<vmem>>) offsets(%dma_start3A_225 : memref<64xi32, #tpu.memory_space<vmem>>) semaphore(%arg18 : memref<!tpu.dma_semaphore, #tpu.memory_space<semaphore_mem>>)
        } else {
        }
        %dma_wait3A_184 = arith.constant 0 : i32
        %dma_wait3A_185 = arith.constant 0 : i32
        %dma_wait3A_186 = tpu.memref_slice %arg2[%dma_wait3A_184, %dma_wait3A_185] : memref<10000x128xf32, #tpu.memory_space<hbm>> -> memref<64x128xf32, #tpu.memory_space<hbm>>
        %dma_wait3A_187 = arith.constant 0 : i32
        %dma_wait3A_188 = arith.constant 0 : i32
        %dma_wait3A_189 = tpu.memref_slice %arg2[%dma_wait3A_187, %dma_wait3A_188] : memref<10000x128xf32, #tpu.memory_space<hbm>> -> memref<64x128xf32, #tpu.memory_space<hbm>>
        tpu.wait_dma2 semaphore(%arg19 : memref<!tpu.dma_semaphore, #tpu.memory_space<semaphore_mem>>) src(%dma_wait3A_189 : memref<64x128xf32, #tpu.memory_space<hbm>>) dst(%arg14 : memref<64x128xf32, #tpu.memory_space<vmem>>)
        %dma_wait3A_190 = arith.constant 0 : i32
        %dma_wait3A_191 = arith.constant 0 : i32
        %dma_wait3A_192 = tpu.memref_slice %arg7[%dma_wait3A_190, %dma_wait3A_191] : memref<320000x128xf32, #tpu.memory_space<hbm>> -> memref<64x128xf32, #tpu.memory_space<hbm>>
        %dma_wait3A_193 = arith.constant 0 : i32
        %dma_wait3A_194 = arith.constant 0 : i32
        %dma_wait3A_195 = tpu.memref_slice %arg7[%dma_wait3A_193, %dma_wait3A_194] : memref<320000x128xf32, #tpu.memory_space<hbm>> -> memref<64x128xf32, #tpu.memory_space<hbm>>
        tpu.wait_dma2 semaphore(%arg21 : memref<!tpu.dma_semaphore, #tpu.memory_space<semaphore_mem>>) src(%dma_wait3A_195 : memref<64x128xf32, #tpu.memory_space<hbm>>) dst(%arg16 : memref<64x128xf32, #tpu.memory_space<vmem>>)
        %scan3A_196 = arith.constant 0 : i32
        %scan3A_197 = arith.constant 0 : i32
        %scan3A_198 = arith.constant 32 : i32
        %scan3A_199 = arith.addi %scan3A_197, %scan3A_198 : i32
        %scan3A_200 = arith.constant 1 : i32
        scf.for %scan3A_221 = %scan3A_197 to %scan3A_199 step %scan3A_200  : i32 {
          %mul3A_222 = arith.constant 2 : i32
          %mul3A_223 = arith.muli %mul3A_222, %scan3A_221 : i32
          %add3A_224 = arith.constant 0 : i32
          %add3A_225 = arith.addi %mul3A_223, %add3A_224 : i32
          %get3A = arith.index_cast %add3A_225 : i32 to index
          %get3A_226 = arith.constant 0 : index
          %get3A_227 = tpu.vector_load %arg14[%get3A, %get3A_226] {strides = array<i32>} : memref<64x128xf32, #tpu.memory_space<vmem>>, vector<1x16xf32>,
          %get3A_228 = vector.shape_cast %get3A_227 : vector<1x16xf32> to vector<16xf32>
          %get3A_229 = arith.index_cast %add3A_225 : i32 to index
          %get3A_230 = arith.constant 0 : index
          %get3A_231 = tpu.vector_load %arg16[%get3A_229, %get3A_230] {strides = array<i32>} : memref<64x128xf32, #tpu.memory_space<vmem>>, vector<1x16xf32>,
          %get3A_232 = vector.shape_cast %get3A_231 : vector<1x16xf32> to vector<16xf32>
          %add3A_233 = arith.addf %get3A_228, %get3A_232 : vector<16xf32>
          %max3A = arith.constant 0.000000e+00 : f32
          %max3A_234 = vector.broadcast %max3A : f32 to vector<16xf32>
          %max3A_235 = arith.maximumf %add3A_233, %max3A_234 : vector<16xf32>
          %swap3A = arith.index_cast %add3A_225 : i32 to index
          %swap3A_236 = arith.constant 0 : index
          %swap3A_237 = tpu.vector_load %arg16[%swap3A, %swap3A_236] {strides = array<i32>} : memref<64x128xf32, #tpu.memory_space<vmem>>, vector<1x16xf32>,
          %swap3A_238 = vector.shape_cast %swap3A_237 : vector<1x16xf32> to vector<16xf32>
          %swap3A_239 = vector.shape_cast %max3A_235 : vector<16xf32> to vector<1x16xf32>
          tpu.vector_store %arg16[%swap3A, %swap3A_236], %swap3A_239 {strides = array<i32>} : memref<64x128xf32, #tpu.memory_space<vmem>>, vector<1x16xf32>,
          %get3A_240 = arith.index_cast %add3A_225 : i32 to index
          %get3A_241 = arith.constant 16 : index
          %get3A_242 = tpu.vector_load %arg14[%get3A_240, %get3A_241] {strides = array<i32>} : memref<64x128xf32, #tpu.memory_space<vmem>>, vector<1x16xf32>,
          %get3A_243 = vector.shape_cast %get3A_242 : vector<1x16xf32> to vector<16xf32>
          %get3A_244 = arith.index_cast %add3A_225 : i32 to index
          %get3A_245 = arith.constant 16 : index
          %get3A_246 = tpu.vector_load %arg16[%get3A_244, %get3A_245] {strides = array<i32>} : memref<64x128xf32, #tpu.memory_space<vmem>>, vector<1x16xf32>,
          %get3A_247 = vector.shape_cast %get3A_246 : vector<1x16xf32> to vector<16xf32>
          %add3A_248 = arith.addf %get3A_243, %get3A_247 : vector<16xf32>
          %max3A_249 = arith.constant 0.000000e+00 : f32
          %max3A_250 = vector.broadcast %max3A_249 : f32 to vector<16xf32>
          %max3A_251 = arith.maximumf %add3A_248, %max3A_250 : vector<16xf32>
          %swap3A_252 = arith.index_cast %add3A_225 : i32 to index
          %swap3A_253 = arith.constant 16 : index
          %swap3A_254 = tpu.vector_load %arg16[%swap3A_252, %swap3A_253] {strides = array<i32>} : memref<64x128xf32, #tpu.memory_space<vmem>>, vector<1x16xf32>,
          %swap3A_255 = vector.shape_cast %swap3A_254 : vector<1x16xf32> to vector<16xf32>
          %swap3A_256 = vector.shape_cast %max3A_251 : vector<16xf32> to vector<1x16xf32>
          tpu.vector_store %arg16[%swap3A_252, %swap3A_253], %swap3A_256 {strides = array<i32>} : memref<64x128xf32, #tpu.memory_space<vmem>>, vector<1x16xf32>,
          %get3A_257 = arith.index_cast %add3A_225 : i32 to index
          %get3A_258 = arith.constant 32 : index
          %get3A_259 = tpu.vector_load %arg14[%get3A_257, %get3A_258] {strides = array<i32>} : memref<64x128xf32, #tpu.memory_space<vmem>>, vector<1x16xf32>,
          %get3A_260 = vector.shape_cast %get3A_259 : vector<1x16xf32> to vector<16xf32>
          %get3A_261 = arith.index_cast %add3A_225 : i32 to index
          %get3A_262 = arith.constant 32 : index
          %get3A_263 = tpu.vector_load %arg16[%get3A_261, %get3A_262] {strides = array<i32>} : memref<64x128xf32, #tpu.memory_space<vmem>>, vector<1x16xf32>,
          %get3A_264 = vector.shape_cast %get3A_263 : vector<1x16xf32> to vector<16xf32>
          %add3A_265 = arith.addf %get3A_260, %get3A_264 : vector<16xf32>
          %max3A_266 = arith.constant 0.000000e+00 : f32
          %max3A_267 = vector.broadcast %max3A_266 : f32 to vector<16xf32>
          %max3A_268 = arith.maximumf %add3A_265, %max3A_267 : vector<16xf32>
          %swap3A_269 = arith.index_cast %add3A_225 : i32 to index
          %swap3A_270 = arith.constant 32 : index
          %swap3A_271 = tpu.vector_load %arg16[%swap3A_269, %swap3A_270] {strides = array<i32>} : memref<64x128xf32, #tpu.memory_space<vmem>>, vector<1x16xf32>,
          %swap3A_272 = vector.shape_cast %swap3A_271 : vector<1x16xf32> to vector<16xf32>
          %swap3A_273 = vector.shape_cast %max3A_268 : vector<16xf32> to vector<1x16xf32>
          tpu.vector_store %arg16[%swap3A_269, %swap3A_270], %swap3A_273 {strides = array<i32>} : memref<64x128xf32, #tpu.memory_space<vmem>>, vector<1x16xf32>,
          %get3A_274 = arith.index_cast %add3A_225 : i32 to index
          %get3A_275 = arith.constant 48 : index
          %get3A_276 = tpu.vector_load %arg14[%get3A_274, %get3A_275] {strides = array<i32>} : memref<64x128xf32, #tpu.memory_space<vmem>>, vector<1x16xf32>,
          %get3A_277 = vector.shape_cast %get3A_276 : vector<1x16xf32> to vector<16xf32>
          %get3A_278 = arith.index_cast %add3A_225 : i32 to index
          %get3A_279 = arith.constant 48 : index
          %get3A_280 = tpu.vector_load %arg16[%get3A_278, %get3A_279] {strides = array<i32>} : memref<64x128xf32, #tpu.memory_space<vmem>>, vector<1x16xf32>,
          %get3A_281 = vector.shape_cast %get3A_280 : vector<1x16xf32> to vector<16xf32>
          %add3A_282 = arith.addf %get3A_277, %get3A_281 : vector<16xf32>
          %max3A_283 = arith.constant 0.000000e+00 : f32
          %max3A_284 = vector.broadcast %max3A_283 : f32 to vector<16xf32>
          %max3A_285 = arith.maximumf %add3A_282, %max3A_284 : vector<16xf32>
          %swap3A_286 = arith.index_cast %add3A_225 : i32 to index
          %swap3A_287 = arith.constant 48 : index
          %swap3A_288 = tpu.vector_load %arg16[%swap3A_286, %swap3A_287] {strides = array<i32>} : memref<64x128xf32, #tpu.memory_space<vmem>>, vector<1x16xf32>,
          %swap3A_289 = vector.shape_cast %swap3A_288 : vector<1x16xf32> to vector<16xf32>
          %swap3A_290 = vector.shape_cast %max3A_285 : vector<16xf32> to vector<1x16xf32>
          tpu.vector_store %arg16[%swap3A_286, %swap3A_287], %swap3A_290 {strides = array<i32>} : memref<64x128xf32, #tpu.memory_space<vmem>>, vector<1x16xf32>,
          %get3A_291 = arith.index_cast %add3A_225 : i32 to index
          %get3A_292 = arith.constant 64 : index
          %get3A_293 = tpu.vector_load %arg14[%get3A_291, %get3A_292] {strides = array<i32>} : memref<64x128xf32, #tpu.memory_space<vmem>>, vector<1x16xf32>,
          %get3A_294 = vector.shape_cast %get3A_293 : vector<1x16xf32> to vector<16xf32>
          %get3A_295 = arith.index_cast %add3A_225 : i32 to index
          %get3A_296 = arith.constant 64 : index
          %get3A_297 = tpu.vector_load %arg16[%get3A_295, %get3A_296] {strides = array<i32>} : memref<64x128xf32, #tpu.memory_space<vmem>>, vector<1x16xf32>,
          %get3A_298 = vector.shape_cast %get3A_297 : vector<1x16xf32> to vector<16xf32>
          %add3A_299 = arith.addf %get3A_294, %get3A_298 : vector<16xf32>
          %max3A_300 = arith.constant 0.000000e+00 : f32
          %max3A_301 = vector.broadcast %max3A_300 : f32 to vector<16xf32>
          %max3A_302 = arith.maximumf %add3A_299, %max3A_301 : vector<16xf32>
          %swap3A_303 = arith.index_cast %add3A_225 : i32 to index
          %swap3A_304 = arith.constant 64 : index
          %swap3A_305 = tpu.vector_load %arg16[%swap3A_303, %swap3A_304] {strides = array<i32>} : memref<64x128xf32, #tpu.memory_space<vmem>>, vector<1x16xf32>,
          %swap3A_306 = vector.shape_cast %swap3A_305 : vector<1x16xf32> to vector<16xf32>
          %swap3A_307 = vector.shape_cast %max3A_302 : vector<16xf32> to vector<1x16xf32>
          tpu.vector_store %arg16[%swap3A_303, %swap3A_304], %swap3A_307 {strides = array<i32>} : memref<64x128xf32, #tpu.memory_space<vmem>>, vector<1x16xf32>,
          %get3A_308 = arith.index_cast %add3A_225 : i32 to index
          %get3A_309 = arith.constant 80 : index
          %get3A_310 = tpu.vector_load %arg14[%get3A_308, %get3A_309] {strides = array<i32>} : memref<64x128xf32, #tpu.memory_space<vmem>>, vector<1x16xf32>,
          %get3A_311 = vector.shape_cast %get3A_310 : vector<1x16xf32> to vector<16xf32>
          %get3A_312 = arith.index_cast %add3A_225 : i32 to index
          %get3A_313 = arith.constant 80 : index
          %get3A_314 = tpu.vector_load %arg16[%get3A_312, %get3A_313] {strides = array<i32>} : memref<64x128xf32, #tpu.memory_space<vmem>>, vector<1x16xf32>,
          %get3A_315 = vector.shape_cast %get3A_314 : vector<1x16xf32> to vector<16xf32>
          %add3A_316 = arith.addf %get3A_311, %get3A_315 : vector<16xf32>
          %max3A_317 = arith.constant 0.000000e+00 : f32
          %max3A_318 = vector.broadcast %max3A_317 : f32 to vector<16xf32>
          %max3A_319 = arith.maximumf %add3A_316, %max3A_318 : vector<16xf32>
          %swap3A_320 = arith.index_cast %add3A_225 : i32 to index
          %swap3A_321 = arith.constant 80 : index
          %swap3A_322 = tpu.vector_load %arg16[%swap3A_320, %swap3A_321] {strides = array<i32>} : memref<64x128xf32, #tpu.memory_space<vmem>>, vector<1x16xf32>,
          %swap3A_323 = vector.shape_cast %swap3A_322 : vector<1x16xf32> to vector<16xf32>
          %swap3A_324 = vector.shape_cast %max3A_319 : vector<16xf32> to vector<1x16xf32>
          tpu.vector_store %arg16[%swap3A_320, %swap3A_321], %swap3A_324 {strides = array<i32>} : memref<64x128xf32, #tpu.memory_space<vmem>>, vector<1x16xf32>,
          %get3A_325 = arith.index_cast %add3A_225 : i32 to index
          %get3A_326 = arith.constant 96 : index
          %get3A_327 = tpu.vector_load %arg14[%get3A_325, %get3A_326] {strides = array<i32>} : memref<64x128xf32, #tpu.memory_space<vmem>>, vector<1x16xf32>,
          %get3A_328 = vector.shape_cast %get3A_327 : vector<1x16xf32> to vector<16xf32>
          %get3A_329 = arith.index_cast %add3A_225 : i32 to index
          %get3A_330 = arith.constant 96 : index
          %get3A_331 = tpu.vector_load %arg16[%get3A_329, %get3A_330] {strides = array<i32>} : memref<64x128xf32, #tpu.memory_space<vmem>>, vector<1x16xf32>,
          %get3A_332 = vector.shape_cast %get3A_331 : vector<1x16xf32> to vector<16xf32>
          %add3A_333 = arith.addf %get3A_328, %get3A_332 : vector<16xf32>
          %max3A_334 = arith.constant 0.000000e+00 : f32
          %max3A_335 = vector.broadcast %max3A_334 : f32 to vector<16xf32>
          %max3A_336 = arith.maximumf %add3A_333, %max3A_335 : vector<16xf32>
          %swap3A_337 = arith.index_cast %add3A_225 : i32 to index
          %swap3A_338 = arith.constant 96 : index
          %swap3A_339 = tpu.vector_load %arg16[%swap3A_337, %swap3A_338] {strides = array<i32>} : memref<64x128xf32, #tpu.memory_space<vmem>>, vector<1x16xf32>,
          %swap3A_340 = vector.shape_cast %swap3A_339 : vector<1x16xf32> to vector<16xf32>
          %swap3A_341 = vector.shape_cast %max3A_336 : vector<16xf32> to vector<1x16xf32>
          tpu.vector_store %arg16[%swap3A_337, %swap3A_338], %swap3A_341 {strides = array<i32>} : memref<64x128xf32, #tpu.memory_space<vmem>>, vector<1x16xf32>,
          %get3A_342 = arith.index_cast %add3A_225 : i32 to index
          %get3A_343 = arith.constant 112 : index
          %get3A_344 = tpu.vector_load %arg14[%get3A_342, %get3A_343] {strides = array<i32>} : memref<64x128xf32, #tpu.memory_space<vmem>>, vector<1x16xf32>,
          %get3A_345 = vector.shape_cast %get3A_344 : vector<1x16xf32> to vector<16xf32>
          %get3A_346 = arith.index_cast %add3A_225 : i32 to index
          %get3A_347 = arith.constant 112 : index
          %get3A_348 = tpu.vector_load %arg16[%get3A_346, %get3A_347] {strides = array<i32>} : memref<64x128xf32, #tpu.memory_space<vmem>>, vector<1x16xf32>,
          %get3A_349 = vector.shape_cast %get3A_348 : vector<1x16xf32> to vector<16xf32>
          %add3A_350 = arith.addf %get3A_345, %get3A_349 : vector<16xf32>
          %max3A_351 = arith.constant 0.000000e+00 : f32
          %max3A_352 = vector.broadcast %max3A_351 : f32 to vector<16xf32>
          %max3A_353 = arith.maximumf %add3A_350, %max3A_352 : vector<16xf32>
          %swap3A_354 = arith.index_cast %add3A_225 : i32 to index
          %swap3A_355 = arith.constant 112 : index
          %swap3A_356 = tpu.vector_load %arg16[%swap3A_354, %swap3A_355] {strides = array<i32>} : memref<64x128xf32, #tpu.memory_space<vmem>>, vector<1x16xf32>,
          %swap3A_357 = vector.shape_cast %swap3A_356 : vector<1x16xf32> to vector<16xf32>
          %swap3A_358 = vector.shape_cast %max3A_353 : vector<16xf32> to vector<1x16xf32>
          tpu.vector_store %arg16[%swap3A_354, %swap3A_355], %swap3A_358 {strides = array<i32>} : memref<64x128xf32, #tpu.memory_space<vmem>>, vector<1x16xf32>,
          %mul3A_359 = arith.constant 2 : i32
          %mul3A_360 = arith.muli %mul3A_359, %scan3A_221 : i32
          %add3A_361 = arith.constant 1 : i32
          %add3A_362 = arith.addi %mul3A_360, %add3A_361 : i32
          %get3A_363 = arith.index_cast %add3A_362 : i32 to index
          %get3A_364 = arith.constant 0 : index
          %get3A_365 = tpu.vector_load %arg14[%get3A_363, %get3A_364] {strides = array<i32>} : memref<64x128xf32, #tpu.memory_space<vmem>>, vector<1x16xf32>,
          %get3A_366 = vector.shape_cast %get3A_365 : vector<1x16xf32> to vector<16xf32>
          %get3A_367 = arith.index_cast %add3A_362 : i32 to index
          %get3A_368 = arith.constant 0 : index
          %get3A_369 = tpu.vector_load %arg16[%get3A_367, %get3A_368] {strides = array<i32>} : memref<64x128xf32, #tpu.memory_space<vmem>>, vector<1x16xf32>,
          %get3A_370 = vector.shape_cast %get3A_369 : vector<1x16xf32> to vector<16xf32>
          %add3A_371 = arith.addf %get3A_366, %get3A_370 : vector<16xf32>
          %max3A_372 = arith.constant 0.000000e+00 : f32
          %max3A_373 = vector.broadcast %max3A_372 : f32 to vector<16xf32>
          %max3A_374 = arith.maximumf %add3A_371, %max3A_373 : vector<16xf32>
          %swap3A_375 = arith.index_cast %add3A_362 : i32 to index
          %swap3A_376 = arith.constant 0 : index
          %swap3A_377 = tpu.vector_load %arg16[%swap3A_375, %swap3A_376] {strides = array<i32>} : memref<64x128xf32, #tpu.memory_space<vmem>>, vector<1x16xf32>,
          %swap3A_378 = vector.shape_cast %swap3A_377 : vector<1x16xf32> to vector<16xf32>
          %swap3A_379 = vector.shape_cast %max3A_374 : vector<16xf32> to vector<1x16xf32>
          tpu.vector_store %arg16[%swap3A_375, %swap3A_376], %swap3A_379 {strides = array<i32>} : memref<64x128xf32, #tpu.memory_space<vmem>>, vector<1x16xf32>,
          %get3A_380 = arith.index_cast %add3A_362 : i32 to index
          %get3A_381 = arith.constant 16 : index
          %get3A_382 = tpu.vector_load %arg14[%get3A_380, %get3A_381] {strides = array<i32>} : memref<64x128xf32, #tpu.memory_space<vmem>>, vector<1x16xf32>,
          %get3A_383 = vector.shape_cast %get3A_382 : vector<1x16xf32> to vector<16xf32>
          %get3A_384 = arith.index_cast %add3A_362 : i32 to index
          %get3A_385 = arith.constant 16 : index
          %get3A_386 = tpu.vector_load %arg16[%get3A_384, %get3A_385] {strides = array<i32>} : memref<64x128xf32, #tpu.memory_space<vmem>>, vector<1x16xf32>,
          %get3A_387 = vector.shape_cast %get3A_386 : vector<1x16xf32> to vector<16xf32>
          %add3A_388 = arith.addf %get3A_383, %get3A_387 : vector<16xf32>
          %max3A_389 = arith.constant 0.000000e+00 : f32
          %max3A_390 = vector.broadcast %max3A_389 : f32 to vector<16xf32>
          %max3A_391 = arith.maximumf %add3A_388, %max3A_390 : vector<16xf32>
          %swap3A_392 = arith.index_cast %add3A_362 : i32 to index
          %swap3A_393 = arith.constant 16 : index
          %swap3A_394 = tpu.vector_load %arg16[%swap3A_392, %swap3A_393] {strides = array<i32>} : memref<64x128xf32, #tpu.memory_space<vmem>>, vector<1x16xf32>,
          %swap3A_395 = vector.shape_cast %swap3A_394 : vector<1x16xf32> to vector<16xf32>
          %swap3A_396 = vector.shape_cast %max3A_391 : vector<16xf32> to vector<1x16xf32>
          tpu.vector_store %arg16[%swap3A_392, %swap3A_393], %swap3A_396 {strides = array<i32>} : memref<64x128xf32, #tpu.memory_space<vmem>>, vector<1x16xf32>,
          %get3A_397 = arith.index_cast %add3A_362 : i32 to index
          %get3A_398 = arith.constant 32 : index
          %get3A_399 = tpu.vector_load %arg14[%get3A_397, %get3A_398] {strides = array<i32>} : memref<64x128xf32, #tpu.memory_space<vmem>>, vector<1x16xf32>,
          %get3A_400 = vector.shape_cast %get3A_399 : vector<1x16xf32> to vector<16xf32>
          %get3A_401 = arith.index_cast %add3A_362 : i32 to index
          %get3A_402 = arith.constant 32 : index
          %get3A_403 = tpu.vector_load %arg16[%get3A_401, %get3A_402] {strides = array<i32>} : memref<64x128xf32, #tpu.memory_space<vmem>>, vector<1x16xf32>,
          %get3A_404 = vector.shape_cast %get3A_403 : vector<1x16xf32> to vector<16xf32>
          %add3A_405 = arith.addf %get3A_400, %get3A_404 : vector<16xf32>
          %max3A_406 = arith.constant 0.000000e+00 : f32
          %max3A_407 = vector.broadcast %max3A_406 : f32 to vector<16xf32>
          %max3A_408 = arith.maximumf %add3A_405, %max3A_407 : vector<16xf32>
          %swap3A_409 = arith.index_cast %add3A_362 : i32 to index
          %swap3A_410 = arith.constant 32 : index
          %swap3A_411 = tpu.vector_load %arg16[%swap3A_409, %swap3A_410] {strides = array<i32>} : memref<64x128xf32, #tpu.memory_space<vmem>>, vector<1x16xf32>,
          %swap3A_412 = vector.shape_cast %swap3A_411 : vector<1x16xf32> to vector<16xf32>
          %swap3A_413 = vector.shape_cast %max3A_408 : vector<16xf32> to vector<1x16xf32>
          tpu.vector_store %arg16[%swap3A_409, %swap3A_410], %swap3A_413 {strides = array<i32>} : memref<64x128xf32, #tpu.memory_space<vmem>>, vector<1x16xf32>,
          %get3A_414 = arith.index_cast %add3A_362 : i32 to index
          %get3A_415 = arith.constant 48 : index
          %get3A_416 = tpu.vector_load %arg14[%get3A_414, %get3A_415] {strides = array<i32>} : memref<64x128xf32, #tpu.memory_space<vmem>>, vector<1x16xf32>,
          %get3A_417 = vector.shape_cast %get3A_416 : vector<1x16xf32> to vector<16xf32>
          %get3A_418 = arith.index_cast %add3A_362 : i32 to index
          %get3A_419 = arith.constant 48 : index
          %get3A_420 = tpu.vector_load %arg16[%get3A_418, %get3A_419] {strides = array<i32>} : memref<64x128xf32, #tpu.memory_space<vmem>>, vector<1x16xf32>,
          %get3A_421 = vector.shape_cast %get3A_420 : vector<1x16xf32> to vector<16xf32>
          %add3A_422 = arith.addf %get3A_417, %get3A_421 : vector<16xf32>
          %max3A_423 = arith.constant 0.000000e+00 : f32
          %max3A_424 = vector.broadcast %max3A_423 : f32 to vector<16xf32>
          %max3A_425 = arith.maximumf %add3A_422, %max3A_424 : vector<16xf32>
          %swap3A_426 = arith.index_cast %add3A_362 : i32 to index
          %swap3A_427 = arith.constant 48 : index
          %swap3A_428 = tpu.vector_load %arg16[%swap3A_426, %swap3A_427] {strides = array<i32>} : memref<64x128xf32, #tpu.memory_space<vmem>>, vector<1x16xf32>,
          %swap3A_429 = vector.shape_cast %swap3A_428 : vector<1x16xf32> to vector<16xf32>
          %swap3A_430 = vector.shape_cast %max3A_425 : vector<16xf32> to vector<1x16xf32>
          tpu.vector_store %arg16[%swap3A_426, %swap3A_427], %swap3A_430 {strides = array<i32>} : memref<64x128xf32, #tpu.memory_space<vmem>>, vector<1x16xf32>,
          %get3A_431 = arith.index_cast %add3A_362 : i32 to index
          %get3A_432 = arith.constant 64 : index
          %get3A_433 = tpu.vector_load %arg14[%get3A_431, %get3A_432] {strides = array<i32>} : memref<64x128xf32, #tpu.memory_space<vmem>>, vector<1x16xf32>,
          %get3A_434 = vector.shape_cast %get3A_433 : vector<1x16xf32> to vector<16xf32>
          %get3A_435 = arith.index_cast %add3A_362 : i32 to index
          %get3A_436 = arith.constant 64 : index
          %get3A_437 = tpu.vector_load %arg16[%get3A_435, %get3A_436] {strides = array<i32>} : memref<64x128xf32, #tpu.memory_space<vmem>>, vector<1x16xf32>,
          %get3A_438 = vector.shape_cast %get3A_437 : vector<1x16xf32> to vector<16xf32>
          %add3A_439 = arith.addf %get3A_434, %get3A_438 : vector<16xf32>
          %max3A_440 = arith.constant 0.000000e+00 : f32
          %max3A_441 = vector.broadcast %max3A_440 : f32 to vector<16xf32>
          %max3A_442 = arith.maximumf %add3A_439, %max3A_441 : vector<16xf32>
          %swap3A_443 = arith.index_cast %add3A_362 : i32 to index
          %swap3A_444 = arith.constant 64 : index
          %swap3A_445 = tpu.vector_load %arg16[%swap3A_443, %swap3A_444] {strides = array<i32>} : memref<64x128xf32, #tpu.memory_space<vmem>>, vector<1x16xf32>,
          %swap3A_446 = vector.shape_cast %swap3A_445 : vector<1x16xf32> to vector<16xf32>
          %swap3A_447 = vector.shape_cast %max3A_442 : vector<16xf32> to vector<1x16xf32>
          tpu.vector_store %arg16[%swap3A_443, %swap3A_444], %swap3A_447 {strides = array<i32>} : memref<64x128xf32, #tpu.memory_space<vmem>>, vector<1x16xf32>,
          %get3A_448 = arith.index_cast %add3A_362 : i32 to index
          %get3A_449 = arith.constant 80 : index
          %get3A_450 = tpu.vector_load %arg14[%get3A_448, %get3A_449] {strides = array<i32>} : memref<64x128xf32, #tpu.memory_space<vmem>>, vector<1x16xf32>,
          %get3A_451 = vector.shape_cast %get3A_450 : vector<1x16xf32> to vector<16xf32>
          %get3A_452 = arith.index_cast %add3A_362 : i32 to index
          %get3A_453 = arith.constant 80 : index
          %get3A_454 = tpu.vector_load %arg16[%get3A_452, %get3A_453] {strides = array<i32>} : memref<64x128xf32, #tpu.memory_space<vmem>>, vector<1x16xf32>,
          %get3A_455 = vector.shape_cast %get3A_454 : vector<1x16xf32> to vector<16xf32>
          %add3A_456 = arith.addf %get3A_451, %get3A_455 : vector<16xf32>
          %max3A_457 = arith.constant 0.000000e+00 : f32
          %max3A_458 = vector.broadcast %max3A_457 : f32 to vector<16xf32>
          %max3A_459 = arith.maximumf %add3A_456, %max3A_458 : vector<16xf32>
          %swap3A_460 = arith.index_cast %add3A_362 : i32 to index
          %swap3A_461 = arith.constant 80 : index
          %swap3A_462 = tpu.vector_load %arg16[%swap3A_460, %swap3A_461] {strides = array<i32>} : memref<64x128xf32, #tpu.memory_space<vmem>>, vector<1x16xf32>,
          %swap3A_463 = vector.shape_cast %swap3A_462 : vector<1x16xf32> to vector<16xf32>
          %swap3A_464 = vector.shape_cast %max3A_459 : vector<16xf32> to vector<1x16xf32>
          tpu.vector_store %arg16[%swap3A_460, %swap3A_461], %swap3A_464 {strides = array<i32>} : memref<64x128xf32, #tpu.memory_space<vmem>>, vector<1x16xf32>,
          %get3A_465 = arith.index_cast %add3A_362 : i32 to index
          %get3A_466 = arith.constant 96 : index
          %get3A_467 = tpu.vector_load %arg14[%get3A_465, %get3A_466] {strides = array<i32>} : memref<64x128xf32, #tpu.memory_space<vmem>>, vector<1x16xf32>,
          %get3A_468 = vector.shape_cast %get3A_467 : vector<1x16xf32> to vector<16xf32>
          %get3A_469 = arith.index_cast %add3A_362 : i32 to index
          %get3A_470 = arith.constant 96 : index
          %get3A_471 = tpu.vector_load %arg16[%get3A_469, %get3A_470] {strides = array<i32>} : memref<64x128xf32, #tpu.memory_space<vmem>>, vector<1x16xf32>,
          %get3A_472 = vector.shape_cast %get3A_471 : vector<1x16xf32> to vector<16xf32>
          %add3A_473 = arith.addf %get3A_468, %get3A_472 : vector<16xf32>
          %max3A_474 = arith.constant 0.000000e+00 : f32
          %max3A_475 = vector.broadcast %max3A_474 : f32 to vector<16xf32>
          %max3A_476 = arith.maximumf %add3A_473, %max3A_475 : vector<16xf32>
          %swap3A_477 = arith.index_cast %add3A_362 : i32 to index
          %swap3A_478 = arith.constant 96 : index
          %swap3A_479 = tpu.vector_load %arg16[%swap3A_477, %swap3A_478] {strides = array<i32>} : memref<64x128xf32, #tpu.memory_space<vmem>>, vector<1x16xf32>,
          %swap3A_480 = vector.shape_cast %swap3A_479 : vector<1x16xf32> to vector<16xf32>
          %swap3A_481 = vector.shape_cast %max3A_476 : vector<16xf32> to vector<1x16xf32>
          tpu.vector_store %arg16[%swap3A_477, %swap3A_478], %swap3A_481 {strides = array<i32>} : memref<64x128xf32, #tpu.memory_space<vmem>>, vector<1x16xf32>,
          %get3A_482 = arith.index_cast %add3A_362 : i32 to index
          %get3A_483 = arith.constant 112 : index
          %get3A_484 = tpu.vector_load %arg14[%get3A_482, %get3A_483] {strides = array<i32>} : memref<64x128xf32, #tpu.memory_space<vmem>>, vector<1x16xf32>,
          %get3A_485 = vector.shape_cast %get3A_484 : vector<1x16xf32> to vector<16xf32>
          %get3A_486 = arith.index_cast %add3A_362 : i32 to index
          %get3A_487 = arith.constant 112 : index
          %get3A_488 = tpu.vector_load %arg16[%get3A_486, %get3A_487] {strides = array<i32>} : memref<64x128xf32, #tpu.memory_space<vmem>>, vector<1x16xf32>,
          %get3A_489 = vector.shape_cast %get3A_488 : vector<1x16xf32> to vector<16xf32>
          %add3A_490 = arith.addf %get3A_485, %get3A_489 : vector<16xf32>
          %max3A_491 = arith.constant 0.000000e+00 : f32
          %max3A_492 = vector.broadcast %max3A_491 : f32 to vector<16xf32>
          %max3A_493 = arith.maximumf %add3A_490, %max3A_492 : vector<16xf32>
          %swap3A_494 = arith.index_cast %add3A_362 : i32 to index
          %swap3A_495 = arith.constant 112 : index
          %swap3A_496 = tpu.vector_load %arg16[%swap3A_494, %swap3A_495] {strides = array<i32>} : memref<64x128xf32, #tpu.memory_space<vmem>>, vector<1x16xf32>,
          %swap3A_497 = vector.shape_cast %swap3A_496 : vector<1x16xf32> to vector<16xf32>
          %swap3A_498 = vector.shape_cast %max3A_493 : vector<16xf32> to vector<1x16xf32>
          tpu.vector_store %arg16[%swap3A_494, %swap3A_495], %swap3A_498 {strides = array<i32>} : memref<64x128xf32, #tpu.memory_space<vmem>>, vector<1x16xf32>,
        }
        %scan3A_201 = arith.constant 32 : i32
        %dma_wait3A_202 = arith.constant 0 : i32
        %dma_wait3A_203 = arith.constant 0 : i32
        %dma_wait3A_204 = tpu.memref_slice %arg17[%dma_wait3A_202, %dma_wait3A_203] : memref<10000x128xf32, #tpu.memory_space<vmem_shared>> -> memref<64x128xf32, #tpu.memory_space<vmem_shared>>
        %dma_wait3A_205 = arith.constant 0 : i32
        %dma_wait3A_206 = arith.constant 0 : i32
        %dma_wait3A_207 = tpu.memref_slice %arg17[%dma_wait3A_205, %dma_wait3A_206] : memref<10000x128xf32, #tpu.memory_space<vmem_shared>> -> memref<64x128xf32, #tpu.memory_space<vmem_shared>>
        tpu.wait_dma2 semaphore(%arg22 : memref<!tpu.dma_semaphore, #tpu.memory_space<semaphore_mem>>) src(%arg15 : memref<64x128xf32, #tpu.memory_space<vmem>>) dst(%dma_wait3A_207 : memref<64x128xf32, #tpu.memory_space<vmem_shared>>)
        %add3A_208 = arith.constant 1 : i32
        %add3A_209 = arith.addi %add3A_178, %add3A_208 : i32
        %lt3A_210 = arith.constant 156 : i32
        %lt3A_211 = arith.cmpi slt, %add3A_209, %lt3A_210 : i32
        %convert_element_type3A_212 = arith.extui %lt3A_211 : i1 to i32
        %cond3A_213 = arith.constant 0 : i32
        %cond3A_214 = arith.cmpi ne, %convert_element_type3A_212, %cond3A_213 : i32
        scf.if %cond3A_214 {
          %add3A_221 = arith.constant 1 : i32
          %add3A_222 = arith.addi %add3A_178, %add3A_221 : i32
          %mul3A_223 = arith.constant 64 : i32
          %mul3A_224 = arith.muli %add3A_222, %mul3A_223 : i32
          %add3A_225 = arith.addi %mul3A_2, %mul3A_224 : i32
          %dma_start3A_226 = arith.constant 0 : i32
          %dma_start3A_227 = tpu.memref_slice %arg7[%add3A_225, %dma_start3A_226] : memref<320000x128xf32, #tpu.memory_space<hbm>> -> memref<64x128xf32, #tpu.memory_space<hbm>>
          %dma_start3A_228 = arith.constant 0 : i32
          %dma_start3A_229 = tpu.memref_slice %arg7[%add3A_225, %dma_start3A_228] : memref<320000x128xf32, #tpu.memory_space<hbm>> -> memref<64x128xf32, #tpu.memory_space<hbm>>
          tpu.enqueue_dma source(%dma_start3A_229 : memref<64x128xf32, #tpu.memory_space<hbm>>) target(%arg15 : memref<64x128xf32, #tpu.memory_space<vmem>>) target_semaphore(%arg20 : memref<!tpu.dma_semaphore, #tpu.memory_space<semaphore_mem>>)
        } else {
        }
        %dma_start3A_215 = arith.constant 0 : i32
        %dma_start3A_216 = tpu.memref_slice %arg10[%add3A_177, %dma_start3A_215] : memref<26x64xi32, #tpu.memory_space<vmem>> -> memref<1x64xi32, #tpu.memory_space<vmem>>
        %dma_start3A_217 = tpu.memref_squeeze %dma_start3A_216 : memref<1x64xi32, #tpu.memory_space<vmem>> -> memref<64xi32, #tpu.memory_space<vmem>>
        %dma_start3A_218 = arith.constant 0 : i32
        %dma_start3A_219 = arith.constant 0 : i32
        %dma_start3A_220 = tpu.memref_slice %arg17[%dma_start3A_218, %dma_start3A_219] : memref<10000x128xf32, #tpu.memory_space<vmem_shared>> -> memref<10000x128xf32, #tpu.memory_space<vmem_shared>>
        tpu.enqueue_indirect_dma source(%arg16 : memref<64x128xf32, #tpu.memory_space<vmem>>) target(%dma_start3A_220 : memref<10000x128xf32, #tpu.memory_space<vmem_shared>>) offsets(%dma_start3A_217 : memref<64xi32, #tpu.memory_space<vmem>>) semaphore(%arg23 : memref<!tpu.dma_semaphore, #tpu.memory_space<semaphore_mem>>) {add = true}
      }
      %scan3A_124 = arith.constant 13 : i32
    }
    %scan3A_57 = arith.constant 6 : i32
    %dma_wait3A = arith.constant 0 : i32
    %dma_wait3A_58 = arith.constant 0 : i32
    %dma_wait3A_59 = tpu.memref_slice %arg17[%dma_wait3A, %dma_wait3A_58] : memref<10000x128xf32, #tpu.memory_space<vmem_shared>> -> memref<64x128xf32, #tpu.memory_space<vmem_shared>>
    %dma_wait3A_60 = arith.constant 0 : i32
    %dma_wait3A_61 = arith.constant 0 : i32
    %dma_wait3A_62 = tpu.memref_slice %arg17[%dma_wait3A_60, %dma_wait3A_61] : memref<10000x128xf32, #tpu.memory_space<vmem_shared>> -> memref<64x128xf32, #tpu.memory_space<vmem_shared>>
    tpu.wait_dma2 semaphore(%arg23 : memref<!tpu.dma_semaphore, #tpu.memory_space<semaphore_mem>>) src(%arg16 : memref<64x128xf32, #tpu.memory_space<vmem>>) dst(%dma_wait3A_62 : memref<64x128xf32, #tpu.memory_space<vmem_shared>>)
    "tpu.region"() ({
      %run_scoped3A_100 = tpu.sem_alloc : memref<!tpu.dma_semaphore, #tpu.memory_space<semaphore_mem>>
      %dma_start3A_101 = arith.constant 0 : i32
      %dma_start3A_102 = arith.constant 0 : i32
      %dma_start3A_103 = tpu.memref_slice %arg5[%add3A, %dma_start3A_101, %dma_start3A_102] : memref<32x1x16xi32, #tpu.memory_space<hbm>> -> memref<1x1x16xi32, #tpu.memory_space<hbm>>
      %dma_start3A_104 = tpu.memref_squeeze %dma_start3A_103 : memref<1x1x16xi32, #tpu.memory_space<hbm>> -> memref<1x16xi32, #tpu.memory_space<hbm>>
      %dma_start3A_105 = arith.constant 0 : i32
      %dma_start3A_106 = arith.constant 0 : i32
      %dma_start3A_107 = tpu.memref_slice %arg5[%add3A, %dma_start3A_105, %dma_start3A_106] : memref<32x1x16xi32, #tpu.memory_space<hbm>> -> memref<1x1x16xi32, #tpu.memory_space<hbm>>
      %dma_start3A_108 = tpu.memref_squeeze %dma_start3A_107 : memref<1x1x16xi32, #tpu.memory_space<hbm>> -> memref<1x16xi32, #tpu.memory_space<hbm>>
      tpu.enqueue_dma source(%dma_start3A_108 : memref<1x16xi32, #tpu.memory_space<hbm>>) target(%arg11 : memref<1x16xi32, #tpu.memory_space<vmem>>) target_semaphore(%run_scoped3A_100 : memref<!tpu.dma_semaphore, #tpu.memory_space<semaphore_mem>>)
      %dma_wait3A_109 = arith.constant 0 : i32
      %dma_wait3A_110 = arith.constant 0 : i32
      %dma_wait3A_111 = tpu.memref_slice %arg5[%add3A, %dma_wait3A_109, %dma_wait3A_110] : memref<32x1x16xi32, #tpu.memory_space<hbm>> -> memref<1x1x16xi32, #tpu.memory_space<hbm>>
      %dma_wait3A_112 = tpu.memref_squeeze %dma_wait3A_111 : memref<1x1x16xi32, #tpu.memory_space<hbm>> -> memref<1x16xi32, #tpu.memory_space<hbm>>
      %dma_wait3A_113 = arith.constant 0 : i32
      %dma_wait3A_114 = arith.constant 0 : i32
      %dma_wait3A_115 = tpu.memref_slice %arg5[%add3A, %dma_wait3A_113, %dma_wait3A_114] : memref<32x1x16xi32, #tpu.memory_space<hbm>> -> memref<1x1x16xi32, #tpu.memory_space<hbm>>
      %dma_wait3A_116 = tpu.memref_squeeze %dma_wait3A_115 : memref<1x1x16xi32, #tpu.memory_space<hbm>> -> memref<1x16xi32, #tpu.memory_space<hbm>>
      tpu.wait_dma2 semaphore(%run_scoped3A_100 : memref<!tpu.dma_semaphore, #tpu.memory_space<semaphore_mem>>) src(%dma_wait3A_116 : memref<1x16xi32, #tpu.memory_space<hbm>>) dst(%arg11 : memref<1x16xi32, #tpu.memory_space<vmem>>)
      tpu.yield
    }) : () -> ()
    "tpu.region"() ({
      %run_scoped3A_100 = tpu.sem_alloc : memref<!tpu.dma_semaphore, #tpu.memory_space<semaphore_mem>>
      %dma_start3A_101 = arith.constant 0 : i32
      %dma_start3A_102 = arith.constant 0 : i32
      %dma_start3A_103 = tpu.memref_slice %arg6[%add3A, %dma_start3A_101, %dma_start3A_102] : memref<32x1x16xi32, #tpu.memory_space<hbm>> -> memref<1x1x16xi32, #tpu.memory_space<hbm>>
      %dma_start3A_104 = tpu.memref_squeeze %dma_start3A_103 : memref<1x1x16xi32, #tpu.memory_space<hbm>> -> memref<1x16xi32, #tpu.memory_space<hbm>>
      %dma_start3A_105 = arith.constant 0 : i32
      %dma_start3A_106 = arith.constant 0 : i32
      %dma_start3A_107 = tpu.memref_slice %arg6[%add3A, %dma_start3A_105, %dma_start3A_106] : memref<32x1x16xi32, #tpu.memory_space<hbm>> -> memref<1x1x16xi32, #tpu.memory_space<hbm>>
      %dma_start3A_108 = tpu.memref_squeeze %dma_start3A_107 : memref<1x1x16xi32, #tpu.memory_space<hbm>> -> memref<1x16xi32, #tpu.memory_space<hbm>>
      tpu.enqueue_dma source(%dma_start3A_108 : memref<1x16xi32, #tpu.memory_space<hbm>>) target(%arg12 : memref<1x16xi32, #tpu.memory_space<vmem>>) target_semaphore(%run_scoped3A_100 : memref<!tpu.dma_semaphore, #tpu.memory_space<semaphore_mem>>)
      %dma_wait3A_109 = arith.constant 0 : i32
      %dma_wait3A_110 = arith.constant 0 : i32
      %dma_wait3A_111 = tpu.memref_slice %arg6[%add3A, %dma_wait3A_109, %dma_wait3A_110] : memref<32x1x16xi32, #tpu.memory_space<hbm>> -> memref<1x1x16xi32, #tpu.memory_space<hbm>>
      %dma_wait3A_112 = tpu.memref_squeeze %dma_wait3A_111 : memref<1x1x16xi32, #tpu.memory_space<hbm>> -> memref<1x16xi32, #tpu.memory_space<hbm>>
      %dma_wait3A_113 = arith.constant 0 : i32
      %dma_wait3A_114 = arith.constant 0 : i32
      %dma_wait3A_115 = tpu.memref_slice %arg6[%add3A, %dma_wait3A_113, %dma_wait3A_114] : memref<32x1x16xi32, #tpu.memory_space<hbm>> -> memref<1x1x16xi32, #tpu.memory_space<hbm>>
      %dma_wait3A_116 = tpu.memref_squeeze %dma_wait3A_115 : memref<1x1x16xi32, #tpu.memory_space<hbm>> -> memref<1x16xi32, #tpu.memory_space<hbm>>
      tpu.wait_dma2 semaphore(%run_scoped3A_100 : memref<!tpu.dma_semaphore, #tpu.memory_space<semaphore_mem>>) src(%dma_wait3A_116 : memref<1x16xi32, #tpu.memory_space<hbm>>) dst(%arg12 : memref<1x16xi32, #tpu.memory_space<vmem>>)
      tpu.yield
    }) : () -> ()
    %dma_start3A = arith.constant 0 : i32
    %dma_start3A_63 = arith.constant 0 : i32
    %dma_start3A_64 = arith.constant 0 : i32
    %dma_start3A_65 = tpu.memref_slice %arg13[%dma_start3A_63, %dma_start3A_64] : memref<64x128xf32, #tpu.memory_space<vmem>> -> memref<16x128xf32, #tpu.memory_space<vmem>>
    %dma_start3A_66 = arith.constant 0 : i32
    %dma_start3A_67 = tpu.memref_slice %arg11[%dma_start3A, %dma_start3A_66] : memref<1x16xi32, #tpu.memory_space<vmem>> -> memref<1x16xi32, #tpu.memory_space<vmem>>
    %dma_start3A_68 = tpu.memref_squeeze %dma_start3A_67 : memref<1x16xi32, #tpu.memory_space<vmem>> -> memref<16xi32, #tpu.memory_space<vmem>>
    %dma_start3A_69 = arith.constant 0 : i32
    %dma_start3A_70 = arith.constant 0 : i32
    %dma_start3A_71 = tpu.memref_slice %arg2[%dma_start3A_69, %dma_start3A_70] : memref<10000x128xf32, #tpu.memory_space<hbm>> -> memref<10000x128xf32, #tpu.memory_space<hbm>>
    tpu.enqueue_indirect_dma source(%dma_start3A_71 : memref<10000x128xf32, #tpu.memory_space<hbm>>) target(%dma_start3A_65 : memref<16x128xf32, #tpu.memory_space<vmem>>) offsets(%dma_start3A_68 : memref<16xi32, #tpu.memory_space<vmem>>) semaphore(%arg18 : memref<!tpu.dma_semaphore, #tpu.memory_space<semaphore_mem>>)
    %add3A_72 = arith.constant 9984 : i32
    %add3A_73 = arith.addi %mul3A_2, %add3A_72 : i32
    "tpu.region"() ({
      %run_scoped3A_100 = tpu.sem_alloc : memref<!tpu.dma_semaphore, #tpu.memory_space<semaphore_mem>>
      %dma_start3A_101 = arith.constant 0 : i32
      %dma_start3A_102 = arith.constant 0 : i32
      %dma_start3A_103 = tpu.memref_slice %arg15[%dma_start3A_101, %dma_start3A_102] : memref<64x128xf32, #tpu.memory_space<vmem>> -> memref<16x128xf32, #tpu.memory_space<vmem>>
      %dma_start3A_104 = arith.constant 0 : i32
      %dma_start3A_105 = tpu.memref_slice %arg7[%add3A_73, %dma_start3A_104] : memref<320000x128xf32, #tpu.memory_space<hbm>> -> memref<16x128xf32, #tpu.memory_space<hbm>>
      %dma_start3A_106 = arith.constant 0 : i32
      %dma_start3A_107 = arith.constant 0 : i32
      %dma_start3A_108 = tpu.memref_slice %arg15[%dma_start3A_106, %dma_start3A_107] : memref<64x128xf32, #tpu.memory_space<vmem>> -> memref<16x128xf32, #tpu.memory_space<vmem>>
      %dma_start3A_109 = arith.constant 0 : i32
      %dma_start3A_110 = tpu.memref_slice %arg7[%add3A_73, %dma_start3A_109] : memref<320000x128xf32, #tpu.memory_space<hbm>> -> memref<16x128xf32, #tpu.memory_space<hbm>>
      tpu.enqueue_dma source(%dma_start3A_110 : memref<16x128xf32, #tpu.memory_space<hbm>>) target(%dma_start3A_108 : memref<16x128xf32, #tpu.memory_space<vmem>>) target_semaphore(%run_scoped3A_100 : memref<!tpu.dma_semaphore, #tpu.memory_space<semaphore_mem>>)
      %dma_wait3A_111 = arith.constant 0 : i32
      %dma_wait3A_112 = arith.constant 0 : i32
      %dma_wait3A_113 = tpu.memref_slice %arg15[%dma_wait3A_111, %dma_wait3A_112] : memref<64x128xf32, #tpu.memory_space<vmem>> -> memref<16x128xf32, #tpu.memory_space<vmem>>
      %dma_wait3A_114 = arith.constant 0 : i32
      %dma_wait3A_115 = tpu.memref_slice %arg7[%add3A_73, %dma_wait3A_114] : memref<320000x128xf32, #tpu.memory_space<hbm>> -> memref<16x128xf32, #tpu.memory_space<hbm>>
      %dma_wait3A_116 = arith.constant 0 : i32
      %dma_wait3A_117 = arith.constant 0 : i32
      %dma_wait3A_118 = tpu.memref_slice %arg15[%dma_wait3A_116, %dma_wait3A_117] : memref<64x128xf32, #tpu.memory_space<vmem>> -> memref<16x128xf32, #tpu.memory_space<vmem>>
      %dma_wait3A_119 = arith.constant 0 : i32
      %dma_wait3A_120 = tpu.memref_slice %arg7[%add3A_73, %dma_wait3A_119] : memref<320000x128xf32, #tpu.memory_space<hbm>> -> memref<16x128xf32, #tpu.memory_space<hbm>>
      tpu.wait_dma2 semaphore(%run_scoped3A_100 : memref<!tpu.dma_semaphore, #tpu.memory_space<semaphore_mem>>) src(%dma_wait3A_120 : memref<16x128xf32, #tpu.memory_space<hbm>>) dst(%dma_wait3A_118 : memref<16x128xf32, #tpu.memory_space<vmem>>)
      tpu.yield
    }) : () -> ()
    %dma_wait3A_74 = arith.constant 0 : i32
    %dma_wait3A_75 = arith.constant 0 : i32
    %dma_wait3A_76 = arith.constant 0 : i32
    %dma_wait3A_77 = tpu.memref_slice %arg13[%dma_wait3A_75, %dma_wait3A_76] : memref<64x128xf32, #tpu.memory_space<vmem>> -> memref<16x128xf32, #tpu.memory_space<vmem>>
    %dma_wait3A_78 = arith.constant 0 : i32
    %dma_wait3A_79 = tpu.memref_slice %arg11[%dma_wait3A_74, %dma_wait3A_78] : memref<1x16xi32, #tpu.memory_space<vmem>> -> memref<1x16xi32, #tpu.memory_space<vmem>>
    %dma_wait3A_80 = tpu.memref_squeeze %dma_wait3A_79 : memref<1x16xi32, #tpu.memory_space<vmem>> -> memref<16xi32, #tpu.memory_space<vmem>>
    %dma_wait3A_81 = arith.constant 0 : i32
    %dma_wait3A_82 = arith.constant 0 : i32
    %dma_wait3A_83 = tpu.memref_slice %arg2[%dma_wait3A_81, %dma_wait3A_82] : memref<10000x128xf32, #tpu.memory_space<hbm>> -> memref<10000x128xf32, #tpu.memory_space<hbm>>
    tpu.wait_indirect_dma semaphore(%arg18 : memref<!tpu.dma_semaphore, #tpu.memory_space<semaphore_mem>>) src(%dma_wait3A_83 : memref<10000x128xf32, #tpu.memory_space<hbm>>) dst(%dma_wait3A_77 : memref<16x128xf32, #tpu.memory_space<vmem>>)
    %scan3A_84 = arith.constant 0 : i32
    %scan3A_85 = arith.constant 0 : i32
    %scan3A_86 = arith.constant 16 : i32
    %scan3A_87 = arith.addi %scan3A_85, %scan3A_86 : i32
    %scan3A_88 = arith.constant 1 : i32
    scf.for %scan3A_100 = %scan3A_85 to %scan3A_87 step %scan3A_88  : i32 {
      %get3A = arith.index_cast %scan3A_100 : i32 to index
      %get3A_101 = arith.constant 0 : index
      %get3A_102 = tpu.vector_load %arg13[%get3A, %get3A_101] {strides = array<i32>} : memref<64x128xf32, #tpu.memory_space<vmem>>, vector<1x16xf32>,
      %get3A_103 = vector.shape_cast %get3A_102 : vector<1x16xf32> to vector<16xf32>
      %get3A_104 = arith.index_cast %scan3A_100 : i32 to index
      %get3A_105 = arith.constant 0 : index
      %get3A_106 = tpu.vector_load %arg15[%get3A_104, %get3A_105] {strides = array<i32>} : memref<64x128xf32, #tpu.memory_space<vmem>>, vector<1x16xf32>,
      %get3A_107 = vector.shape_cast %get3A_106 : vector<1x16xf32> to vector<16xf32>
      %add3A_108 = arith.addf %get3A_103, %get3A_107 : vector<16xf32>
      %max3A = arith.constant 0.000000e+00 : f32
      %max3A_109 = vector.broadcast %max3A : f32 to vector<16xf32>
      %max3A_110 = arith.maximumf %add3A_108, %max3A_109 : vector<16xf32>
      %swap3A = arith.index_cast %scan3A_100 : i32 to index
      %swap3A_111 = arith.constant 0 : index
      %swap3A_112 = tpu.vector_load %arg15[%swap3A, %swap3A_111] {strides = array<i32>} : memref<64x128xf32, #tpu.memory_space<vmem>>, vector<1x16xf32>,
      %swap3A_113 = vector.shape_cast %swap3A_112 : vector<1x16xf32> to vector<16xf32>
      %swap3A_114 = vector.shape_cast %max3A_110 : vector<16xf32> to vector<1x16xf32>
      tpu.vector_store %arg15[%swap3A, %swap3A_111], %swap3A_114 {strides = array<i32>} : memref<64x128xf32, #tpu.memory_space<vmem>>, vector<1x16xf32>,
      %get3A_115 = arith.index_cast %scan3A_100 : i32 to index
      %get3A_116 = arith.constant 16 : index
      %get3A_117 = tpu.vector_load %arg13[%get3A_115, %get3A_116] {strides = array<i32>} : memref<64x128xf32, #tpu.memory_space<vmem>>, vector<1x16xf32>,
      %get3A_118 = vector.shape_cast %get3A_117 : vector<1x16xf32> to vector<16xf32>
      %get3A_119 = arith.index_cast %scan3A_100 : i32 to index
      %get3A_120 = arith.constant 16 : index
      %get3A_121 = tpu.vector_load %arg15[%get3A_119, %get3A_120] {strides = array<i32>} : memref<64x128xf32, #tpu.memory_space<vmem>>, vector<1x16xf32>,
      %get3A_122 = vector.shape_cast %get3A_121 : vector<1x16xf32> to vector<16xf32>
      %add3A_123 = arith.addf %get3A_118, %get3A_122 : vector<16xf32>
      %max3A_124 = arith.constant 0.000000e+00 : f32
      %max3A_125 = vector.broadcast %max3A_124 : f32 to vector<16xf32>
      %max3A_126 = arith.maximumf %add3A_123, %max3A_125 : vector<16xf32>
      %swap3A_127 = arith.index_cast %scan3A_100 : i32 to index
      %swap3A_128 = arith.constant 16 : index
      %swap3A_129 = tpu.vector_load %arg15[%swap3A_127, %swap3A_128] {strides = array<i32>} : memref<64x128xf32, #tpu.memory_space<vmem>>, vector<1x16xf32>,
      %swap3A_130 = vector.shape_cast %swap3A_129 : vector<1x16xf32> to vector<16xf32>
      %swap3A_131 = vector.shape_cast %max3A_126 : vector<16xf32> to vector<1x16xf32>
      tpu.vector_store %arg15[%swap3A_127, %swap3A_128], %swap3A_131 {strides = array<i32>} : memref<64x128xf32, #tpu.memory_space<vmem>>, vector<1x16xf32>,
      %get3A_132 = arith.index_cast %scan3A_100 : i32 to index
      %get3A_133 = arith.constant 32 : index
      %get3A_134 = tpu.vector_load %arg13[%get3A_132, %get3A_133] {strides = array<i32>} : memref<64x128xf32, #tpu.memory_space<vmem>>, vector<1x16xf32>,
      %get3A_135 = vector.shape_cast %get3A_134 : vector<1x16xf32> to vector<16xf32>
      %get3A_136 = arith.index_cast %scan3A_100 : i32 to index
      %get3A_137 = arith.constant 32 : index
      %get3A_138 = tpu.vector_load %arg15[%get3A_136, %get3A_137] {strides = array<i32>} : memref<64x128xf32, #tpu.memory_space<vmem>>, vector<1x16xf32>,
      %get3A_139 = vector.shape_cast %get3A_138 : vector<1x16xf32> to vector<16xf32>
      %add3A_140 = arith.addf %get3A_135, %get3A_139 : vector<16xf32>
      %max3A_141 = arith.constant 0.000000e+00 : f32
      %max3A_142 = vector.broadcast %max3A_141 : f32 to vector<16xf32>
      %max3A_143 = arith.maximumf %add3A_140, %max3A_142 : vector<16xf32>
      %swap3A_144 = arith.index_cast %scan3A_100 : i32 to index
      %swap3A_145 = arith.constant 32 : index
      %swap3A_146 = tpu.vector_load %arg15[%swap3A_144, %swap3A_145] {strides = array<i32>} : memref<64x128xf32, #tpu.memory_space<vmem>>, vector<1x16xf32>,
      %swap3A_147 = vector.shape_cast %swap3A_146 : vector<1x16xf32> to vector<16xf32>
      %swap3A_148 = vector.shape_cast %max3A_143 : vector<16xf32> to vector<1x16xf32>
      tpu.vector_store %arg15[%swap3A_144, %swap3A_145], %swap3A_148 {strides = array<i32>} : memref<64x128xf32, #tpu.memory_space<vmem>>, vector<1x16xf32>,
      %get3A_149 = arith.index_cast %scan3A_100 : i32 to index
      %get3A_150 = arith.constant 48 : index
      %get3A_151 = tpu.vector_load %arg13[%get3A_149, %get3A_150] {strides = array<i32>} : memref<64x128xf32, #tpu.memory_space<vmem>>, vector<1x16xf32>,
      %get3A_152 = vector.shape_cast %get3A_151 : vector<1x16xf32> to vector<16xf32>
      %get3A_153 = arith.index_cast %scan3A_100 : i32 to index
      %get3A_154 = arith.constant 48 : index
      %get3A_155 = tpu.vector_load %arg15[%get3A_153, %get3A_154] {strides = array<i32>} : memref<64x128xf32, #tpu.memory_space<vmem>>, vector<1x16xf32>,
      %get3A_156 = vector.shape_cast %get3A_155 : vector<1x16xf32> to vector<16xf32>
      %add3A_157 = arith.addf %get3A_152, %get3A_156 : vector<16xf32>
      %max3A_158 = arith.constant 0.000000e+00 : f32
      %max3A_159 = vector.broadcast %max3A_158 : f32 to vector<16xf32>
      %max3A_160 = arith.maximumf %add3A_157, %max3A_159 : vector<16xf32>
      %swap3A_161 = arith.index_cast %scan3A_100 : i32 to index
      %swap3A_162 = arith.constant 48 : index
      %swap3A_163 = tpu.vector_load %arg15[%swap3A_161, %swap3A_162] {strides = array<i32>} : memref<64x128xf32, #tpu.memory_space<vmem>>, vector<1x16xf32>,
      %swap3A_164 = vector.shape_cast %swap3A_163 : vector<1x16xf32> to vector<16xf32>
      %swap3A_165 = vector.shape_cast %max3A_160 : vector<16xf32> to vector<1x16xf32>
      tpu.vector_store %arg15[%swap3A_161, %swap3A_162], %swap3A_165 {strides = array<i32>} : memref<64x128xf32, #tpu.memory_space<vmem>>, vector<1x16xf32>,
      %get3A_166 = arith.index_cast %scan3A_100 : i32 to index
      %get3A_167 = arith.constant 64 : index
      %get3A_168 = tpu.vector_load %arg13[%get3A_166, %get3A_167] {strides = array<i32>} : memref<64x128xf32, #tpu.memory_space<vmem>>, vector<1x16xf32>,
      %get3A_169 = vector.shape_cast %get3A_168 : vector<1x16xf32> to vector<16xf32>
      %get3A_170 = arith.index_cast %scan3A_100 : i32 to index
      %get3A_171 = arith.constant 64 : index
      %get3A_172 = tpu.vector_load %arg15[%get3A_170, %get3A_171] {strides = array<i32>} : memref<64x128xf32, #tpu.memory_space<vmem>>, vector<1x16xf32>,
      %get3A_173 = vector.shape_cast %get3A_172 : vector<1x16xf32> to vector<16xf32>
      %add3A_174 = arith.addf %get3A_169, %get3A_173 : vector<16xf32>
      %max3A_175 = arith.constant 0.000000e+00 : f32
      %max3A_176 = vector.broadcast %max3A_175 : f32 to vector<16xf32>
      %max3A_177 = arith.maximumf %add3A_174, %max3A_176 : vector<16xf32>
      %swap3A_178 = arith.index_cast %scan3A_100 : i32 to index
      %swap3A_179 = arith.constant 64 : index
      %swap3A_180 = tpu.vector_load %arg15[%swap3A_178, %swap3A_179] {strides = array<i32>} : memref<64x128xf32, #tpu.memory_space<vmem>>, vector<1x16xf32>,
      %swap3A_181 = vector.shape_cast %swap3A_180 : vector<1x16xf32> to vector<16xf32>
      %swap3A_182 = vector.shape_cast %max3A_177 : vector<16xf32> to vector<1x16xf32>
      tpu.vector_store %arg15[%swap3A_178, %swap3A_179], %swap3A_182 {strides = array<i32>} : memref<64x128xf32, #tpu.memory_space<vmem>>, vector<1x16xf32>,
      %get3A_183 = arith.index_cast %scan3A_100 : i32 to index
      %get3A_184 = arith.constant 80 : index
      %get3A_185 = tpu.vector_load %arg13[%get3A_183, %get3A_184] {strides = array<i32>} : memref<64x128xf32, #tpu.memory_space<vmem>>, vector<1x16xf32>,
      %get3A_186 = vector.shape_cast %get3A_185 : vector<1x16xf32> to vector<16xf32>
      %get3A_187 = arith.index_cast %scan3A_100 : i32 to index
      %get3A_188 = arith.constant 80 : index
      %get3A_189 = tpu.vector_load %arg15[%get3A_187, %get3A_188] {strides = array<i32>} : memref<64x128xf32, #tpu.memory_space<vmem>>, vector<1x16xf32>,
      %get3A_190 = vector.shape_cast %get3A_189 : vector<1x16xf32> to vector<16xf32>
      %add3A_191 = arith.addf %get3A_186, %get3A_190 : vector<16xf32>
      %max3A_192 = arith.constant 0.000000e+00 : f32
      %max3A_193 = vector.broadcast %max3A_192 : f32 to vector<16xf32>
      %max3A_194 = arith.maximumf %add3A_191, %max3A_193 : vector<16xf32>
      %swap3A_195 = arith.index_cast %scan3A_100 : i32 to index
      %swap3A_196 = arith.constant 80 : index
      %swap3A_197 = tpu.vector_load %arg15[%swap3A_195, %swap3A_196] {strides = array<i32>} : memref<64x128xf32, #tpu.memory_space<vmem>>, vector<1x16xf32>,
      %swap3A_198 = vector.shape_cast %swap3A_197 : vector<1x16xf32> to vector<16xf32>
      %swap3A_199 = vector.shape_cast %max3A_194 : vector<16xf32> to vector<1x16xf32>
      tpu.vector_store %arg15[%swap3A_195, %swap3A_196], %swap3A_199 {strides = array<i32>} : memref<64x128xf32, #tpu.memory_space<vmem>>, vector<1x16xf32>,
      %get3A_200 = arith.index_cast %scan3A_100 : i32 to index
      %get3A_201 = arith.constant 96 : index
      %get3A_202 = tpu.vector_load %arg13[%get3A_200, %get3A_201] {strides = array<i32>} : memref<64x128xf32, #tpu.memory_space<vmem>>, vector<1x16xf32>,
      %get3A_203 = vector.shape_cast %get3A_202 : vector<1x16xf32> to vector<16xf32>
      %get3A_204 = arith.index_cast %scan3A_100 : i32 to index
      %get3A_205 = arith.constant 96 : index
      %get3A_206 = tpu.vector_load %arg15[%get3A_204, %get3A_205] {strides = array<i32>} : memref<64x128xf32, #tpu.memory_space<vmem>>, vector<1x16xf32>,
      %get3A_207 = vector.shape_cast %get3A_206 : vector<1x16xf32> to vector<16xf32>
      %add3A_208 = arith.addf %get3A_203, %get3A_207 : vector<16xf32>
      %max3A_209 = arith.constant 0.000000e+00 : f32
      %max3A_210 = vector.broadcast %max3A_209 : f32 to vector<16xf32>
      %max3A_211 = arith.maximumf %add3A_208, %max3A_210 : vector<16xf32>
      %swap3A_212 = arith.index_cast %scan3A_100 : i32 to index
      %swap3A_213 = arith.constant 96 : index
      %swap3A_214 = tpu.vector_load %arg15[%swap3A_212, %swap3A_213] {strides = array<i32>} : memref<64x128xf32, #tpu.memory_space<vmem>>, vector<1x16xf32>,
      %swap3A_215 = vector.shape_cast %swap3A_214 : vector<1x16xf32> to vector<16xf32>
      %swap3A_216 = vector.shape_cast %max3A_211 : vector<16xf32> to vector<1x16xf32>
      tpu.vector_store %arg15[%swap3A_212, %swap3A_213], %swap3A_216 {strides = array<i32>} : memref<64x128xf32, #tpu.memory_space<vmem>>, vector<1x16xf32>,
      %get3A_217 = arith.index_cast %scan3A_100 : i32 to index
      %get3A_218 = arith.constant 112 : index
      %get3A_219 = tpu.vector_load %arg13[%get3A_217, %get3A_218] {strides = array<i32>} : memref<64x128xf32, #tpu.memory_space<vmem>>, vector<1x16xf32>,
      %get3A_220 = vector.shape_cast %get3A_219 : vector<1x16xf32> to vector<16xf32>
      %get3A_221 = arith.index_cast %scan3A_100 : i32 to index
      %get3A_222 = arith.constant 112 : index
      %get3A_223 = tpu.vector_load %arg15[%get3A_221, %get3A_222] {strides = array<i32>} : memref<64x128xf32, #tpu.memory_space<vmem>>, vector<1x16xf32>,
      %get3A_224 = vector.shape_cast %get3A_223 : vector<1x16xf32> to vector<16xf32>
      %add3A_225 = arith.addf %get3A_220, %get3A_224 : vector<16xf32>
      %max3A_226 = arith.constant 0.000000e+00 : f32
      %max3A_227 = vector.broadcast %max3A_226 : f32 to vector<16xf32>
      %max3A_228 = arith.maximumf %add3A_225, %max3A_227 : vector<16xf32>
      %swap3A_229 = arith.index_cast %scan3A_100 : i32 to index
      %swap3A_230 = arith.constant 112 : index
      %swap3A_231 = tpu.vector_load %arg15[%swap3A_229, %swap3A_230] {strides = array<i32>} : memref<64x128xf32, #tpu.memory_space<vmem>>, vector<1x16xf32>,
      %swap3A_232 = vector.shape_cast %swap3A_231 : vector<1x16xf32> to vector<16xf32>
      %swap3A_233 = vector.shape_cast %max3A_228 : vector<16xf32> to vector<1x16xf32>
      tpu.vector_store %arg15[%swap3A_229, %swap3A_230], %swap3A_233 {strides = array<i32>} : memref<64x128xf32, #tpu.memory_space<vmem>>, vector<1x16xf32>,
    }
    %scan3A_89 = arith.constant 16 : i32
    %run_scoped3A = arith.constant 0 : i32
    "tpu.region"() ({
      %run_scoped3A_100 = tpu.sem_alloc : memref<!tpu.dma_semaphore, #tpu.memory_space<semaphore_mem>>
      %dma_start3A_101 = arith.constant 0 : i32
      %dma_start3A_102 = arith.constant 0 : i32
      %dma_start3A_103 = tpu.memref_slice %arg15[%dma_start3A_101, %dma_start3A_102] : memref<64x128xf32, #tpu.memory_space<vmem>> -> memref<16x128xf32, #tpu.memory_space<vmem>>
      %dma_start3A_104 = arith.constant 0 : i32
      %dma_start3A_105 = tpu.memref_slice %arg12[%run_scoped3A, %dma_start3A_104] : memref<1x16xi32, #tpu.memory_space<vmem>> -> memref<1x16xi32, #tpu.memory_space<vmem>>
      %dma_start3A_106 = tpu.memref_squeeze %dma_start3A_105 : memref<1x16xi32, #tpu.memory_space<vmem>> -> memref<16xi32, #tpu.memory_space<vmem>>
      %dma_start3A_107 = arith.constant 0 : i32
      %dma_start3A_108 = arith.constant 0 : i32
      %dma_start3A_109 = tpu.memref_slice %arg17[%dma_start3A_107, %dma_start3A_108] : memref<10000x128xf32, #tpu.memory_space<vmem_shared>> -> memref<10000x128xf32, #tpu.memory_space<vmem_shared>>
      tpu.enqueue_indirect_dma source(%dma_start3A_103 : memref<16x128xf32, #tpu.memory_space<vmem>>) target(%dma_start3A_109 : memref<10000x128xf32, #tpu.memory_space<vmem_shared>>) offsets(%dma_start3A_106 : memref<16xi32, #tpu.memory_space<vmem>>) semaphore(%run_scoped3A_100 : memref<!tpu.dma_semaphore, #tpu.memory_space<semaphore_mem>>) {add = true}
      %dma_wait3A_110 = arith.constant 0 : i32
      %dma_wait3A_111 = arith.constant 0 : i32
      %dma_wait3A_112 = tpu.memref_slice %arg15[%dma_wait3A_110, %dma_wait3A_111] : memref<64x128xf32, #tpu.memory_space<vmem>> -> memref<16x128xf32, #tpu.memory_space<vmem>>
      %dma_wait3A_113 = arith.constant 0 : i32
      %dma_wait3A_114 = tpu.memref_slice %arg12[%run_scoped3A, %dma_wait3A_113] : memref<1x16xi32, #tpu.memory_space<vmem>> -> memref<1x16xi32, #tpu.memory_space<vmem>>
      %dma_wait3A_115 = tpu.memref_squeeze %dma_wait3A_114 : memref<1x16xi32, #tpu.memory_space<vmem>> -> memref<16xi32, #tpu.memory_space<vmem>>
      %dma_wait3A_116 = arith.constant 0 : i32
      %dma_wait3A_117 = arith.constant 0 : i32
      %dma_wait3A_118 = tpu.memref_slice %arg17[%dma_wait3A_116, %dma_wait3A_117] : memref<10000x128xf32, #tpu.memory_space<vmem_shared>> -> memref<10000x128xf32, #tpu.memory_space<vmem_shared>>
      tpu.wait_indirect_dma semaphore(%run_scoped3A_100 : memref<!tpu.dma_semaphore, #tpu.memory_space<semaphore_mem>>) src(%dma_wait3A_112 : memref<16x128xf32, #tpu.memory_space<vmem>>) dst(%dma_wait3A_118 : memref<10000x128xf32, #tpu.memory_space<vmem_shared>>)
      tpu.yield
    }) : () -> ()
    %barrier3A_90 = arith.constant 0 : index
    tpu.barrier barrier_id(%barrier3A_90)
    %mul3A_91 = arith.constant 624 : i32
    %mul3A_92 = arith.muli %arg1, %mul3A_91 : i32
    %mul3A_93 = arith.constant 624 : i32
    %mul3A_94 = arith.muli %arg1, %mul3A_93 : i32
    "tpu.region"() ({
      %run_scoped3A_100 = tpu.sem_alloc : memref<!tpu.dma_semaphore, #tpu.memory_space<semaphore_mem>>
      %dma_start3A_101 = arith.constant 0 : i32
      %dma_start3A_102 = tpu.memref_slice %arg8[%arg0, %mul3A_94, %dma_start3A_101] : memref<2x10000x128xf32, #tpu.memory_space<hbm>> -> memref<1x624x128xf32, #tpu.memory_space<hbm>>
      %dma_start3A_103 = tpu.memref_squeeze %dma_start3A_102 : memref<1x624x128xf32, #tpu.memory_space<hbm>> -> memref<624x128xf32, #tpu.memory_space<hbm>>
      %dma_start3A_104 = arith.constant 0 : i32
      %dma_start3A_105 = tpu.memref_slice %arg17[%mul3A_92, %dma_start3A_104] : memref<10000x128xf32, #tpu.memory_space<vmem_shared>> -> memref<624x128xf32, #tpu.memory_space<vmem_shared>>
      tpu.enqueue_dma source(%dma_start3A_105 : memref<624x128xf32, #tpu.memory_space<vmem_shared>>) target(%dma_start3A_103 : memref<624x128xf32, #tpu.memory_space<hbm>>) target_semaphore(%run_scoped3A_100 : memref<!tpu.dma_semaphore, #tpu.memory_space<semaphore_mem>>)
      %dma_wait3A_106 = arith.constant 0 : i32
      %dma_wait3A_107 = tpu.memref_slice %arg8[%arg0, %mul3A_94, %dma_wait3A_106] : memref<2x10000x128xf32, #tpu.memory_space<hbm>> -> memref<1x624x128xf32, #tpu.memory_space<hbm>>
      %dma_wait3A_108 = tpu.memref_squeeze %dma_wait3A_107 : memref<1x624x128xf32, #tpu.memory_space<hbm>> -> memref<624x128xf32, #tpu.memory_space<hbm>>
      %dma_wait3A_109 = arith.constant 0 : i32
      %dma_wait3A_110 = tpu.memref_slice %arg17[%mul3A_92, %dma_wait3A_109] : memref<10000x128xf32, #tpu.memory_space<vmem_shared>> -> memref<624x128xf32, #tpu.memory_space<vmem_shared>>
      tpu.wait_dma2 semaphore(%run_scoped3A_100 : memref<!tpu.dma_semaphore, #tpu.memory_space<semaphore_mem>>) src(%dma_wait3A_110 : memref<624x128xf32, #tpu.memory_space<vmem_shared>>) dst(%dma_wait3A_108 : memref<624x128xf32, #tpu.memory_space<hbm>>)
      tpu.yield
    }) : () -> ()
    %eq3A_95 = arith.constant 0 : i32
    %eq3A_96 = arith.cmpi eq, %arg1, %eq3A_95 : i32
    %convert_element_type3A_97 = arith.extui %eq3A_96 : i1 to i32
    %cond3A_98 = arith.constant 0 : i32
    %cond3A_99 = arith.cmpi ne, %convert_element_type3A_97, %cond3A_98 : i32
    scf.if %cond3A_99 {
      "tpu.region"() ({
        %run_scoped3A_100 = tpu.sem_alloc : memref<!tpu.dma_semaphore, #tpu.memory_space<semaphore_mem>>
        %dma_start3A_101 = arith.constant 9984 : i32
        %dma_start3A_102 = arith.constant 0 : i32
        %dma_start3A_103 = tpu.memref_slice %arg8[%arg0, %dma_start3A_101, %dma_start3A_102] : memref<2x10000x128xf32, #tpu.memory_space<hbm>> -> memref<1x16x128xf32, #tpu.memory_space<hbm>>
        %dma_start3A_104 = tpu.memref_squeeze %dma_start3A_103 : memref<1x16x128xf32, #tpu.memory_space<hbm>> -> memref<16x128xf32, #tpu.memory_space<hbm>>
        %dma_start3A_105 = arith.constant 9984 : i32
        %dma_start3A_106 = arith.constant 0 : i32
        %dma_start3A_107 = tpu.memref_slice %arg17[%dma_start3A_105, %dma_start3A_106] : memref<10000x128xf32, #tpu.memory_space<vmem_shared>> -> memref<16x128xf32, #tpu.memory_space<vmem_shared>>
        tpu.enqueue_dma source(%dma_start3A_107 : memref<16x128xf32, #tpu.memory_space<vmem_shared>>) target(%dma_start3A_104 : memref<16x128xf32, #tpu.memory_space<hbm>>) target_semaphore(%run_scoped3A_100 : memref<!tpu.dma_semaphore, #tpu.memory_space<semaphore_mem>>)
        %dma_wait3A_108 = arith.constant 9984 : i32
        %dma_wait3A_109 = arith.constant 0 : i32
        %dma_wait3A_110 = tpu.memref_slice %arg8[%arg0, %dma_wait3A_108, %dma_wait3A_109] : memref<2x10000x128xf32, #tpu.memory_space<hbm>> -> memref<1x16x128xf32, #tpu.memory_space<hbm>>
        %dma_wait3A_111 = tpu.memref_squeeze %dma_wait3A_110 : memref<1x16x128xf32, #tpu.memory_space<hbm>> -> memref<16x128xf32, #tpu.memory_space<hbm>>
        %dma_wait3A_112 = arith.constant 9984 : i32
        %dma_wait3A_113 = arith.constant 0 : i32
        %dma_wait3A_114 = tpu.memref_slice %arg17[%dma_wait3A_112, %dma_wait3A_113] : memref<10000x128xf32, #tpu.memory_space<vmem_shared>> -> memref<16x128xf32, #tpu.memory_space<vmem_shared>>
        tpu.wait_dma2 semaphore(%run_scoped3A_100 : memref<!tpu.dma_semaphore, #tpu.memory_space<semaphore_mem>>) src(%dma_wait3A_114 : memref<16x128xf32, #tpu.memory_space<vmem_shared>>) dst(%dma_wait3A_111 : memref<16x128xf32, #tpu.memory_space<hbm>>)
        tpu.yield
      }) : () -> ()
    } else {
    }
    return
  }
}

module attributes {stable_mosaic.version = 14 : i64} {
  func.func @_matmul_body(%arg0: i32, %arg1: memref<1000x128xf32, #tpu.memory_space<vmem>>, %arg2: memref<128x128xf32, #tpu.memory_space<vmem>>, %arg3: memref<1000x128xf32, #tpu.memory_space<vmem>>) attributes {dimension_semantics = [#tpu.dimension_semantics<arbitrary>], iteration_bounds = array<i64: 10>, scalar_prefetch = 0 : i64, scratch_operands = 0 : i64, tpu.core_type = #tpu.core_type<tc>, window_params = [{transform_indices = @transform_0, window_bounds = array<i64: 1000, 128>}, {pipeline_mode = #tpu.pipeline_mode<synchronous>, transform_indices = @transform_1, window_bounds = array<i64: 128, 128>}, {transform_indices = @transform_2, window_bounds = array<i64: 1000, 128>}]} {
    %get3A = arith.constant 0 : index
    %get3A_0 = arith.constant 0 : index
    %get3A_1 = vector.load %arg1[%get3A, %get3A_0] : memref<1000x128xf32, #tpu.memory_space<vmem>>, vector<1000x128xf32>
    %get3A_2 = arith.constant 0 : index
    %get3A_3 = arith.constant 0 : index
    %get3A_4 = vector.load %arg2[%get3A_2, %get3A_3] : memref<128x128xf32, #tpu.memory_space<vmem>>, vector<128x128xf32>
    %dot_general3A = arith.constant dense<0.000000e+00> : vector<1000x128xf32>
    %dot_general3A_5 = tpu.matmul %get3A_1, %get3A_4, %dot_general3A {dimension_numbers = #tpu.dot_dimension_numbers<[1], [1], [0], [0], [0, 0, 1, 0], [], []>, transpose_lhs_hint = false} : vector<1000x128xf32>, vector<128x128xf32>, vector<1000x128xf32> -> vector<1000x128xf32>
    %swap3A = arith.constant 0 : index
    %swap3A_6 = arith.constant 0 : index
    %swap3A_7 = vector.load %arg3[%swap3A, %swap3A_6] : memref<1000x128xf32, #tpu.memory_space<vmem>>, vector<1000x128xf32>
    tpu.vector_store %arg3[%swap3A, %swap3A_6], %dot_general3A_5 {strides = array<i32>} : memref<1000x128xf32, #tpu.memory_space<vmem>>, vector<1000x128xf32>,
    return
  }
  func.func @transform_0(%arg0: i32) -> (i32, i32) {
    %c0_i32 = arith.constant 0 : i32
    %c0_i32_0 = arith.constant 0 : i32
    return %arg0, %c0_i32 : i32, i32
  }
  func.func @transform_1(%arg0: i32) -> (i32, i32) {
    %c0_i32 = arith.constant 0 : i32
    %c0_i32_0 = arith.constant 0 : i32
    %c0_i32_1 = arith.constant 0 : i32
    return %c0_i32, %c0_i32_0 : i32, i32
  }
  func.func @transform_2(%arg0: i32) -> (i32, i32) {
    %c0_i32 = arith.constant 0 : i32
    %c0_i32_0 = arith.constant 0 : i32
    return %arg0, %c0_i32 : i32, i32
  }
}

module attributes {stable_mosaic.version = 14 : i64} {
  func.func @_combine_body(%arg0: i32, %arg1: memref<2x1000x128xf32, #tpu.memory_space<vmem>>, %arg2: memref<1x128xf32, #tpu.memory_space<vmem>>, %arg3: memref<1000x128xf32, #tpu.memory_space<vmem>>) attributes {dimension_semantics = [#tpu.dimension_semantics<arbitrary>], iteration_bounds = array<i64: 10>, scalar_prefetch = 0 : i64, scratch_operands = 0 : i64, tpu.core_type = #tpu.core_type<tc>, window_params = [{transform_indices = @transform_0, window_bounds = array<i64: 2, 1000, 128>}, {pipeline_mode = #tpu.pipeline_mode<synchronous>, transform_indices = @transform_1, window_bounds = array<i64: 1, 128>}, {transform_indices = @transform_2, window_bounds = array<i64: 1000, 128>}]} {
    %get3A = arith.constant 0 : index
    %get3A_0 = arith.constant 0 : index
    %get3A_1 = arith.constant 0 : index
    %get3A_2 = vector.load %arg1[%get3A, %get3A_0, %get3A_1] : memref<2x1000x128xf32, #tpu.memory_space<vmem>>, vector<1x1000x128xf32>
    %get3A_3 = vector.shape_cast %get3A_2 : vector<1x1000x128xf32> to vector<1000x128xf32>
    %get3A_4 = arith.constant 1 : index
    %get3A_5 = arith.constant 0 : index
    %get3A_6 = arith.constant 0 : index
    %get3A_7 = vector.load %arg1[%get3A_4, %get3A_5, %get3A_6] : memref<2x1000x128xf32, #tpu.memory_space<vmem>>, vector<1x1000x128xf32>
    %get3A_8 = vector.shape_cast %get3A_7 : vector<1x1000x128xf32> to vector<1000x128xf32>
    %add3A = arith.addf %get3A_3, %get3A_8 : vector<1000x128xf32>
    %get3A_9 = arith.constant 0 : index
    %get3A_10 = arith.constant 0 : index
    %get3A_11 = vector.load %arg2[%get3A_9, %get3A_10] : memref<1x128xf32, #tpu.memory_space<vmem>>, vector<1x128xf32>
    %add3A_12 = vector.broadcast %get3A_11 : vector<1x128xf32> to vector<1000x128xf32>
    %add3A_13 = arith.addf %add3A, %add3A_12 : vector<1000x128xf32>
    %swap3A = arith.constant 0 : index
    %swap3A_14 = arith.constant 0 : index
    %swap3A_15 = vector.load %arg3[%swap3A, %swap3A_14] : memref<1000x128xf32, #tpu.memory_space<vmem>>, vector<1000x128xf32>
    tpu.vector_store %arg3[%swap3A, %swap3A_14], %add3A_13 {strides = array<i32>} : memref<1000x128xf32, #tpu.memory_space<vmem>>, vector<1000x128xf32>,
    return
  }
  func.func @transform_0(%arg0: i32) -> (i32, i32, i32) {
    %c0_i32 = arith.constant 0 : i32
    %c0_i32_0 = arith.constant 0 : i32
    %c0_i32_1 = arith.constant 0 : i32
    return %c0_i32, %arg0, %c0_i32_0 : i32, i32, i32
  }
  func.func @transform_1(%arg0: i32) -> (i32, i32) {
    %c0_i32 = arith.constant 0 : i32
    %c0_i32_0 = arith.constant 0 : i32
    %c0_i32_1 = arith.constant 0 : i32
    return %c0_i32, %c0_i32_0 : i32, i32
  }
  func.func @transform_2(%arg0: i32) -> (i32, i32) {
    %c0_i32 = arith.constant 0 : i32
    %c0_i32_0 = arith.constant 0 : i32
    return %arg0, %c0_i32 : i32, i32
  }
}

</mosaic_0001>

<sc_bundles>
// kernel: kernel.5.cloned.1.call-start
scs
__scs_entry_jumppad:
0x0: {  	(pc) =	sbr.rel $0x88, $3  }
0x1: {  	(tag) =	ssettag $0x0;
	lr =	simm.s32 $0x1  }
0x2: {  	[smem:$0x3F9C] =	sst lr;
	_ =	strace $0xD0000000  }
0x3: {  	_ = 	snop  }
0x4: {  	_ = 	snop  }
0x5: {  	_ = 	snop  }
0x6: {  	_ = 	snop  }
0x7: {  	_ = 	snop  }
__scs_overlays_trampoline_lowered:
0x8: {  	[smem:$0x3FAB] =	sst s0  }
0x9: {  	[smem:$0x3FAC] =	sst s1  }
0xa: {  	[smem:$0x3FAD] =	sst s2  }
0xb: {  	[smem:$0x3FAE] =	sst s3  }
0xc: {  	[smem:$0x3FAF] =	sst s4  }
0xd: {  	[smem:$0x3FB0] =	sst s5  }
0xe: {  	[smem:$0x3FB1] =	sst s6  }
0xf: {  	[smem:$0x3FB2] =	sst s7  }
0x10: {  	[smem:$0x3FB3] =	sst s8  }
0x11: {  	[smem:$0x3FB4] =	sst s9;
	s0 =	simm.s32 @!p0 $0x0  }
0x12: {  	s1 =	sld [smem:$0x3F9A];
	s0 =	simm.s32 @p0 $0x1  }
0x13: {  	[smem:$0x3FB5] =	sst s0;
	s0 =	simm.s32 @!p1 $0x0  }
0x14: {  	s2 =	sld [smem:$0x3F99];
	s0 =	simm.s32 @p1 $0x1  }
0x15: {  	[smem:$0x3FB6] =	sst s0;
	s0 =	simm.s32 @!p2 $0x0  }
0x16: {  	s3 =	sld [smem:$0x3FDB];
	s0 =	simm.s32 @p2 $0x1  }
0x17: {  	s4 =	simm.s32 $0x1BF5;
	[smem:$0x3FB8] =	sst s0  }
0x18: {  	s0 =	sld [smem:$0x3F9B];
	_ =	swait.ge [sflag:s4], $0x0  }
0x19: {  	s7 =	sld [smem:$0x3F9C]  }
0x1a: {  	s8 =	sadd.s32 $0xFFFFE003, lr  }
0x1b: {  	s9 =	sadd.s32 $0xFFFFFEF7, lr;
	s5 =	simm.s32 $0xFFFFFFFF;
	p2 =	slt.u32 s8, $0xFFFFF086  }
0x1c: {  	p1 =	slt.u32 s9, $0xF7A;
	s5 =	simm.s32 @!p2 $0x0  }
0x1d: {  	s5 =	simm.s32 @p1 $0x1;
	p0 =	seq.s32 s7, s2  }
0x1e: {  	s7 =	smul.u32 @!p0 $0xF7A, s2;
	p2 =	seq.s32 @!p0 s5, $0x0  }
0x1f: {  	s9 =	smul.u32 $0xF7A, s1;
	s8 =	simm.s32 @!p0 $0x1BF5;
	p2 =	por !p2, p0  }
0x20: {  	[sflag:s8] =	ssyncset.s32 @!p0 $0xFFFFF086;
	s6 =	sadd.s32 @!p0 s3, s7;
	s7 =	simm.s32 @!p0 $0x108  }
0x21: {  	s3 =	sadd.s32 s3, s9;
	s6 =	sadd.s32 @!p0 $0x88, s6;
	s7 =	simm.s32 @p2 $0x1082  }
0x22: {  	[simem:s7], [sflag:s8] =	dma.local @!p0 [hbm:s6], $0xF7A  }
0x23: {  	s9 =	sor.u32 $0xD0000000, s2;
	s6 =	simm.s32 $0x108;
	_ =	swait.ge @!p0 [sflag:s8], $0x0  }
0x24: {  	s3 =	sadd.s32 $0x88, s3;
	s6 =	simm.s32 @!p1 $0x1082;
	[sflag:s4] =	ssyncset.s32 $0xFFFFF086  }
0x25: {  	[simem:s6], [sflag:s4] =	dma.local [hbm:s3], $0xF7A  }
0x26: {  	[smem:$0x3F9C] =	sst s1;
	(tag) =	ssettag s2;
	_ =	strace s9  }
0x27: {  	s1 =	sld [smem:$0x3FAC]  }
0x28: {  	s2 =	sld [smem:$0x3FAD]  }
0x29: {  	s4 =	sld [smem:$0x3FAF]  }
0x2a: {  	p0 =	seq.s32 s5, $0x0;
	s5 =	sld [smem:$0x3FB0]  }
0x2b: {  	s6 =	sld [smem:$0x3FB1]  }
0x2c: {  	s7 =	sld [smem:$0x3FB2]  }
0x2d: {  	s3 =	simm.s32 $0x108;
	s8 =	sld [smem:$0x3FB3]  }
0x2e: {  	s3 =	simm.s32 @!p0 $0x1082;
	s9 =	sld [smem:$0x3FB4]  }
0x2f: {  	lr =	sadd.s32 s0, s3;
	s0 =	sld [smem:$0x3FAB]  }
0x30: {  	s3 =	sld [smem:$0x3FAE]  }
0x31: {  	[smem:$0x3FB7] =	sst s10  }
0x32: {  	s10 =	sld [smem:$0x3FB5];
	_ =	sdelay $0x3  }
0x33: {  	p0 =	seq.s32 s10, $0x1;
	s10 =	sld [smem:$0x3FB7];
	_ =	sdelay $0x3  }
0x34: {  	[smem:$0x3FB7] =	sst s10  }
0x35: {  	s10 =	sld [smem:$0x3FB6];
	_ =	sdelay $0x3  }
0x36: {  	p1 =	seq.s32 s10, $0x1;
	s10 =	sld [smem:$0x3FB7];
	_ =	sdelay $0x3  }
0x37: {  	[smem:$0x3FB7] =	sst s10  }
0x38: {  	s10 =	sld [smem:$0x3FB8]  }
0x39: {  	_ = 	snop;
	(pc) =	sbr.ind lr, $3  }
0x3a: {  	_ = 	snop  }
0x3b: {  	_ = 	snop  }
0x3c: {  	p2 =	seq.s32 s10, $0x1;
	s10 =	sld [smem:$0x3FB7]  }
0x3d: {  	_ =	shalt  }
0x3e: {  	_ =	shalt  }
0x3f: {  	_ =	shalt  }
0x40: {  	_ =	shalt  }
0x41: {  	_ =	shalt  }
0x42: {  	_ =	shalt  }
0x43: {  	_ =	shalt  }
0x44: {  	_ =	shalt  }
0x45: {  	_ =	shalt  }
0x46: {  	_ =	shalt  }
0x47: {  	_ =	shalt  }
0x48: {  	_ =	shalt  }
0x49: {  	_ =	shalt  }
0x4a: {  	_ =	shalt  }
0x4b: {  	_ =	shalt  }
0x4c: {  	_ =	shalt  }
0x4d: {  	_ =	shalt  }
0x4e: {  	_ =	shalt  }
0x4f: {  	_ =	shalt  }
0x50: {  	_ =	shalt  }
0x51: {  	_ =	shalt  }
0x52: {  	_ =	shalt  }
0x53: {  	_ =	shalt  }
0x54: {  	_ =	shalt  }
0x55: {  	_ =	shalt  }
0x56: {  	_ =	shalt  }
0x57: {  	_ =	shalt  }
0x58: {  	_ =	shalt  }
0x59: {  	_ =	shalt  }
0x5a: {  	_ =	shalt  }
0x5b: {  	_ =	shalt  }
0x5c: {  	_ =	shalt  }
0x5d: {  	_ =	shalt  }
0x5e: {  	_ =	shalt  }
0x5f: {  	_ =	shalt  }
0x60: {  	_ =	shalt  }
0x61: {  	_ =	shalt  }
0x62: {  	_ =	shalt  }
0x63: {  	_ =	shalt  }
0x64: {  	_ =	shalt  }
0x65: {  	_ =	shalt  }
0x66: {  	_ =	shalt  }
0x67: {  	_ =	shalt  }
0x68: {  	_ =	shalt  }
0x69: {  	_ =	shalt  }
0x6a: {  	_ =	shalt  }
0x6b: {  	_ =	shalt  }
0x6c: {  	_ =	shalt  }
0x6d: {  	_ =	shalt  }
0x6e: {  	_ =	shalt  }
0x6f: {  	_ =	shalt  }
0x70: {  	_ =	shalt  }
0x71: {  	_ =	shalt  }
0x72: {  	_ =	shalt  }
0x73: {  	_ =	shalt  }
0x74: {  	_ =	shalt  }
0x75: {  	_ =	shalt  }
0x76: {  	_ =	shalt  }
0x77: {  	_ =	shalt  }
0x78: {  	_ =	shalt  }
0x79: {  	_ =	shalt  }
0x7a: {  	_ =	shalt  }
0x7b: {  	_ =	shalt  }
0x7c: {  	_ =	shalt  }
0x7d: {  	_ =	shalt  }
0x7e: {  	_ =	shalt  }
0x7f: {  	_ =	shalt  }
0x80: {  	_ =	shalt  }
0x81: {  	_ =	shalt  }
0x82: {  	_ =	shalt  }
0x83: {  	_ =	shalt  }
0x84: {  	_ =	shalt  }
0x85: {  	_ =	shalt  }
0x86: {  	_ =	shalt  }
0x87: {  	_ =	shalt  }
.Lfunc_end0:
.L_simem_size_0:
called_computation_lowered:
.L_overlay_start_0:
0x88: {  	s2 =	sld [smem:$0x3FD9]  }
0x89: {  	s3 =	sld [smem:$0x3FFE];
	_ =	sdelay $0x1  }
0x8a: {  	s1 =	srdreg.scid  }
0x8b: {  	s0 =	sand.u32 $0x1, s1  }
0x8c: {  	s17 =	sshll.u32 s0, $0xA;
	s2 =	sadd.s32 s3, s2  }
0x8d: {  	s2 =	sadd.s32 s2, s17  }
0x8e: {  	[smem:$0x3FC3] =	sst s2  }
0x8f: {  	_ = 	snop  }
0x90: {  	s2 =	sld [smem:$0x3FC7]  }
0x91: {  	s18 =	sld [smem:$0x3FD0];
	(tm) =	ssettm $0x1  }
0x92: {  	s4 =	sld [smem:$0x3FFB];
	_ =	sdelay $0x3  }
0x93: {  	_ =	strace s4  }
0x94: {  	s4 =	sld [smem:$0x3FFC];
	_ =	sdelay $0x3  }
0x95: {  	_ =	strace s4  }
0x96: {  	s4 =	sld [smem:$0x3FFD];
	_ =	sdelay $0x3  }
0x97: {  	_ =	strace s4  }
0x98: {  	_ =	strace $0x8FFFFFFF  }
0x99: {  	s19 =	sld [smem:$0x3FDB];
	_ =	sdelay $0x1  }
0x9a: {  	s5 =	simm.s32 $_scs_section_size  }
0x9b: {  	s6 =	simm.s32 $_size__tile_overlayer_lowered;
	s7 =	simm.s32 $_tile_overlayer_lowered  }
0x9c: {  	s22 =	simm.s32 $0x1BFF;
	s21 =	sshll.u32 s7, $0x1;
	s4 =	sadd.s32 s5, s19  }
0x9d: {  	s8 =	simm.s32 $0x0;
	s20 =	sshll.u32 s6, $0x1;
	s6 =	sadd.s32 s21, s4  }
0x9e: {  	[timem:s8], [sflag:s22] =	dma.local [hbm:s6], s20  }
0x9f: {  	_ =	swait.ge [sflag:s22], s20  }
0xa0: {  	s5 =	ssub.s32 $0x0, s20;
	[sflag:s22] =	ssyncset.done $0x0  }
0xa1: {  	[sflag:s22] =	ssyncadd.s32 s5;
	_ =	sdelay $0x1  }
0xa2: {  	s23 =	simm.s32 $0x1B8B  }
0xa3: {  	_ =	swait.ge [sflag:s23], $0x1  }
0xa4: {  	[sflag:s23] =	ssyncset.done $0x0  }
0xa5: {  	s25 =	simm.s32 $0x1B8E;
	s24 =	sld [smem:$0x3FFE];
	[sflag:s23] =	ssyncadd.s32 $0xFFFFFFFF  }
0xa6: {  	s26 =	simm.s32 $execute0_lowered;
	[smem:$0x3FD2] =	sst s25  }
0xa7: {  	s6 =	sshll.u32 s26, $0x1;
	_ =	strace $0x80000046;
	[dreg:$0x1] =	wrdreg $0xFFFFFFFF  }
0xa8: {  	s28 =	simm.s32 $_size_execute0_lowered;
	s4 =	sadd.s32 s4, s6;
	[dreg:$0x0] =	wrdreg $0x0  }
0xa9: {  	s6 =	sshll.u32 s28, $0x1;
	[dreg:$0x2] =	wrdreg s4  }
0xaa: {  	[dreg:$0x3] =	wrdreg s6  }
0xab: {  	[dreg:$0x4] =	wrdreg $0xC0  }
0xac: {  	_ =	task [dreg:s8], $0x5FFFF  }
0xad: {  	[dreg:$0x1] =	wrdreg $0xFFFFFFFF  }
0xae: {  	[dreg:$0x0] =	wrdreg $0x60  }
0xaf: {  	[dreg:$0x2] =	wrdreg s18  }
0xb0: {  	[dreg:$0x3] =	wrdreg s24  }
0xb1: {  	[dreg:$0x4] =	wrdreg s2  }
0xb2: {  	[dreg:$0x5] =	wrdreg $0xA1000  }
0xb3: {  	[dreg:$0x6] =	wrdreg $0x9  }
0xb4: {  	_ =	task.clear_ibuf [dreg:s8], $0x7FFFF;
	_ =	strace $0x90000046  }
0xb5: {  	s29 =	simm.s32 $0x9;
	_ =	strace $0x80000048  }
0xb6: {  	_ =	swait.ge [sflag:s29], $0x1  }
0xb7: {  	[sflag:s29] =	ssyncadd.s32 $0xFFFFFFFF  }
0xb8: {  	_ =	strace $0x90000048  }
0xb9: {  	_ =	sfence  }
0xba: {  	s30 =	sld [smem:$0x0];
	_ =	sdelay $0x2  }
0xbb: {  	s31 =	sshll.u32 s1, $0xD;
	s1 =	sshrl.u32 s1, $0x2  }
0xbc: {  	s3 =	sand.u32 $0x4000, s31;
	s1 =	sadd.s32 s1, s30  }
0xbd: {  	s0 =	sor.u32 s3, s0;
	s1 =	sshll.u32 s1, $0x11  }
0xbe: {  	s0 =	sor.u32 s1, s0  }
0xbf: {  	s0 =	sadd.s32 $0x8F2B, s0  }
0xc0: {  	[sflag:s0] =	ssyncadd.remote.s32 $0x1  }
0xc1: {  	_ =	sfence.sel $0xFFFF  }
0xc2: {  	[dreg:$0x0] =	wrdreg $0xFFFFFFFF;
	(pc) =	sbr.abs _section_cstart, $3  }
0xc3: {  	[dreg:$0x1] =	wrdreg $0xFFFFFFFF  }
0xc4: {  	_ =	task.clear_ibuf [dreg:s8], $0x2FFFF;
	_ =	strace $0x9FFFFFFF  }
0xc5: {  	(tm) =	ssettm $0x7FFFFFFF  }
tec
execute0_lowered:
.L_overlay_start_1:
0x0: {  	(tag) =	ssettag $0x1  }
0x1: {  	s1 =	rddreg [dreg:$0x0]  }
0x2: {  	s0 =	rddreg [dreg:$0x1]  }
0x3: {  	s2 =	rddreg [dreg:$0x2]  }
0x4: {  	s3 =	rddreg [dreg:$0x3];
	s4 =	simm.s32 $0x0  }
0x5: {  	s5 =	srdreg.scid;
	s15 =	stileid.u32;
	s29 =	simm.s32 $0x6100  }
0x6: {  	s30 =	simm.s32 $0x7;
	s31 =	simm.s32 $0x1000;
	[smem:$0x7FF] =	sst s4  }
0x7: {  	s5 =	sand.u32 $0x1, s5;
	s6 =	sshll.u32 s15, $0x1;
	s8 =	smul.u32 $0x4E000, s15  }
0x8: {  	s7 =	sadd.s32 $0x19600, s0;
	s13 =	smul.u32 $0x13800, s15;
	p0 =	sne.s32 s15, $0x0  }
0x9: {  	s9 =	sor.u32 s5, s6;
	s11 =	ssub.s32 $0x2, s5;
	s5 =	smul.u32 $0x138800, s5  }
0xa: {  	s15 =	simm.s32 $0x5;
	_ =	strace $0x80000047;
	s19 =	smul.u32 $0x27100, s9  }
0xb: {  	s6 =	sadd.s32 $0x1600, s0;
	s10 =	sshll.u32 s9, $0x4;
	s14 =	smul.u32 $0x138800, s9  }
0xc: {  	s8 =	sshrl.u32 s8, $0x2;
	s12 =	sshrl.u32 s11, $0x1;
	s17 =	smul.u32 $0x6000, s9  }
0xd: {  	s10 =	sadd.s32 s10, s0;
	s0 =	sadd.s32 $0x31600, s0;
	s21 =	sadd.s32 s8, s3  }
0xe: {  	s11 =	ssub.s32 s11, s12;
	s8 =	sadd.s32 $0x2000, s21;
	[dreg:$0x5] =	wrdreg s21  }
0xf: {  	s16 =	sadd.s32 s13, s5;
	s20 =	sadd.s32 $0x4000, s21;
	[dreg:$0x6] =	wrdreg s8  }
0x10: {  	s5 =	sshrl.u32 s5, $0x3;
	s22 =	sadd.s32 $0x6000, s21;
	[dreg:$0x7] =	wrdreg s20  }
0x11: {  	s12 =	simm.s32 $0x8100;
	s23 =	sadd.s32 $0x8000, s21;
	[dreg:$0x8] =	wrdreg s22  }
0x12: {  	s13 =	simm.s32 $0x2;
	s24 =	sadd.s32 $0xA000, s21;
	[dreg:$0x9] =	wrdreg s23  }
0x13: {  	s25 =	sadd.s32 $0xC000, s21;
	s26 =	sadd.s32 $0xE000, s21;
	[dreg:$0xa] =	wrdreg s24  }
0x14: {  	s28 =	sadd.s32 $0x10000, s21;
	s18 =	sadd.s32 s2, s19;
	[dreg:$0xb] =	wrdreg s25  }
0x15: {  	s19 =	sadd.s32 $0x2000, s14;
	s9 =	sshrl.u32 s16, $0x3;
	[dreg:$0xc] =	wrdreg s26  }
0x16: {  	[dreg:$0xd] =	wrdreg s28;
	s20 =	sshrl.u32 s14, $0x3;
	s22 =	sadd.s32 s0, s9  }
0x17: {  	s0 =	sadd.s32 s0, s5;
	s23 =	sadd.s32 $0x1400, s10;
	[dreg:$0xe] =	wrdreg s22  }
0x18: {  	s25 =	sadd.s32 $0x1200, s10;
	s26 =	smax.u32 s11, $0x1;
	[dreg:$0xf] =	wrdreg s23  }
0x19: {  	s28 =	sadd.s32 $0x12000, s21;
	s9 =	simm.s32 $0x4100;
	[dreg:$0x10] =	wrdreg s25  }
0x1a: {  	s10 =	simm.s32 $0x1;
	s11 =	simm.s32 $0x3;
	[dreg:$0x13] =	wrdreg s26  }
0x1b: {  	s14 =	simm.s32 $0x4;
	s0 =	sadd.s32 $0x27000, s0;
	[dreg:$0x14] =	wrdreg s28  }
0x1c: {  	s24 =	sadd.s32 s2, s20;
	s22 =	sadd.s32 $0x138000, s3;
	[dreg:$0x12] =	wrdreg s0  }
0x1d: {  	s23 =	simm.s32 $0x0;
	s5 =	sadd.s32 $0x27000, s24;
	[dreg:$0x15] =	wrdreg s22  }
0x1e: {  	v0 =	vimm.f32 $0.0e+00;
	s0 =	simm.s32 $0x40;
	[dreg:$0x11] =	wrdreg s5;
	s5 =	simm.s32 $0x2100  }
.LBB2_1:
0x1f: {  	s16 =	simm.s32 $0x0;
	s20 =	simm.s32 $0x200  }
.LBB2_2:
0x20: {  	p1 =	sne.s32 s20, $0x7E00;
	[tilespmem:s16+$0x6170] =	vst v0  }
0x21: {  	[tilespmem:s16+$0x6100] =	vst v0  }
0x22: {  	[tilespmem:s16+$0x6110] =	vst v0  }
.Ltmp0:
0x23: {  	[tilespmem:s16+$0x6120] =	vst v0;
	(pc) =	sbr.rel @p1 .LBB2_2-.Ltmp0, $4  }
0x24: {  	[tilespmem:s16+$0x6130] =	vst v0  }
0x25: {  	[tilespmem:s16+$0x6140] =	vst v0  }
0x26: {  	[tilespmem:s16+$0x6150] =	vst v0  }
0x27: {  	[tilespmem:s16+$0x6160] =	vst v0;
	s16 =	sshra.s32 s20, $0x2;
	s20 =	sadd.s32 $0x200, s20  }
0x28: {  	[tilespmem:s16+$0x6170] =	vst v0  }
0x29: {  	[tilespmem:s16+$0x6100] =	vst v0  }
0x2a: {  	[tilespmem:s16+$0x6110] =	vst v0  }
0x2b: {  	[tilespmem:s16+$0x6120] =	vst v0  }
0x2c: {  	[tilespmem:s16+$0x6130] =	vst v0  }
0x2d: {  	[tilespmem:s16+$0x6140] =	vst v0  }
0x2e: {  	[tilespmem:s16+$0x6150] =	vst v0  }
0x2f: {  	[tilespmem:s16+$0x6160] =	vst v0  }
0x30: {  	[spmem:s21] =	stream.linear.scatter [tilespmem:s29], [sflag:$0x7], $0x2000, $0x38;
	[tilespmem:$0x1D980] =	vst v63  }
0x31: {  	_ =	swait.ge [sflag:s30], $0x2000  }
0x32: {  	[sflag:s30] =	ssyncset.done $0x0  }
0x33: {  	s8 =	rddreg [dreg:$0x6];
	[sflag:s30] =	ssyncadd.s32 $0xFFFFE000  }
0x34: {  	[spmem:s8] =	stream.linear.scatter [tilespmem:s29], [sflag:$0x7], $0x2000, $0x38;
	[tilespmem:$0x1D980] =	vst v63  }
0x35: {  	_ =	swait.ge [sflag:s30], $0x2000  }
0x36: {  	[sflag:s30] =	ssyncset.done $0x0  }
0x37: {  	s28 =	rddreg [dreg:$0x7];
	[sflag:s30] =	ssyncadd.s32 $0xFFFFE000  }
0x38: {  	[spmem:s28] =	stream.linear.scatter [tilespmem:s29], [sflag:$0x7], $0x2000, $0x38;
	[tilespmem:$0x1D980] =	vst v63  }
0x39: {  	_ =	swait.ge [sflag:s30], $0x2000  }
0x3a: {  	[sflag:s30] =	ssyncset.done $0x0  }
0x3b: {  	s16 =	rddreg [dreg:$0x8];
	[sflag:s30] =	ssyncadd.s32 $0xFFFFE000  }
0x3c: {  	[spmem:s16] =	stream.linear.scatter [tilespmem:s29], [sflag:$0x7], $0x2000, $0x38;
	[tilespmem:$0x1D980] =	vst v63  }
0x3d: {  	_ =	swait.ge [sflag:s30], $0x2000  }
0x3e: {  	[sflag:s30] =	ssyncset.done $0x0  }
0x3f: {  	s20 =	rddreg [dreg:$0x9];
	[sflag:s30] =	ssyncadd.s32 $0xFFFFE000  }
0x40: {  	[spmem:s20] =	stream.linear.scatter [tilespmem:s29], [sflag:$0x7], $0x2000, $0x38;
	[tilespmem:$0x1D980] =	vst v63  }
0x41: {  	_ =	swait.ge [sflag:s30], $0x2000  }
0x42: {  	[sflag:s30] =	ssyncset.done $0x0  }
0x43: {  	s21 =	rddreg [dreg:$0xa];
	[sflag:s30] =	ssyncadd.s32 $0xFFFFE000  }
0x44: {  	[spmem:s21] =	stream.linear.scatter [tilespmem:s29], [sflag:$0x7], $0x2000, $0x38;
	[tilespmem:$0x1D980] =	vst v63  }
0x45: {  	_ =	swait.ge [sflag:s30], $0x2000  }
0x46: {  	[sflag:s30] =	ssyncset.done $0x0  }
0x47: {  	s24 =	rddreg [dreg:$0xb];
	[sflag:s30] =	ssyncadd.s32 $0xFFFFE000  }
0x48: {  	[spmem:s24] =	stream.linear.scatter [tilespmem:s29], [sflag:$0x7], $0x2000, $0x38;
	[tilespmem:$0x1D980] =	vst v63  }
0x49: {  	_ =	swait.ge [sflag:s30], $0x2000  }
0x4a: {  	[sflag:s30] =	ssyncset.done $0x0  }
0x4b: {  	s25 =	rddreg [dreg:$0xc];
	[sflag:s30] =	ssyncadd.s32 $0xFFFFE000  }
0x4c: {  	[spmem:s25] =	stream.linear.scatter [tilespmem:s29], [sflag:$0x7], $0x2000, $0x38;
	[tilespmem:$0x1D980] =	vst v63  }
0x4d: {  	_ =	swait.ge [sflag:s30], $0x2000  }
0x4e: {  	[sflag:s30] =	ssyncset.done $0x0  }
0x4f: {  	s26 =	rddreg [dreg:$0xd];
	[sflag:s30] =	ssyncadd.s32 $0xFFFFE000  }
0x50: {  	[spmem:s26] =	stream.linear.scatter [tilespmem:s29], [sflag:$0x7], $0x2000, $0x38;
	[tilespmem:$0x1D980] =	vst v63  }
0x51: {  	_ =	swait.ge [sflag:s30], $0x2000  }
0x52: {  	[sflag:s30] =	ssyncset.done $0x0  }
0x53: {  	s28 =	rddreg [dreg:$0x14];
	[sflag:s30] =	ssyncadd.s32 $0xFFFFE000  }
0x54: {  	[spmem:s28] =	stream.linear.scatter [tilespmem:s29], [sflag:$0x7], $0x1800, $0x38;
	[tilespmem:$0x1D980] =	vst v63  }
0x55: {  	_ =	swait.ge [sflag:s30], $0x1800  }
0x56: {  	[sflag:s30] =	ssyncset.done $0x0  }
0x57: {  	s16 =	simm.s32 @!p0 $0x6100;
	[sflag:s30] =	ssyncadd.s32 $0xFFFFE800  }
0x58: {  	[spmem:s22] =	stream.linear.scatter @!p0 [tilespmem:s16], [sflag:$0x7], $0x800, $0x38;
	[tilespmem:$0x1D980] =	vst v63  }
0x59: {  	s16 =	simm.s32 @!p0 $0x7  }
0x5a: {  	_ =	swait.ge @!p0 [sflag:s16], $0x800  }
0x5b: {  	[sflag:s16] =	ssyncset.done @!p0 $0x0  }
0x5c: {  	[sflag:s16] =	ssyncadd.s32 @!p0 $0xFFFFF800  }
0x5d: {  	s24 =	simm.s32 $0x0;
	[bflag:$0x0] =	sbarrier.arrive $0xFFFF  }
.LBB2_4:
0x5e: {  	p1 =	seq.s32 s24, $0x0  }
0x5f: {  	s20 =	sshll.u32 s24, $0xC;
	s16 =	simm.s32 @!p1 $0x6  }
0x60: {  	s20 =	sadd.s32 s17, s20;
	_ =	swait.ge @!p1 [sflag:s16], $0x2000  }
0x61: {  	s20 =	sshrl.u32 s20, $0x3;
	[sflag:s16] =	ssyncset.done @!p1 $0x0  }
0x62: {  	s26 =	sadd.s32 s6, s20;
	[sflag:s16] =	ssyncadd.s32 @!p1 $0xFFFFE000  }
0x63: {  	[tilespmem:s4], [sflag:$0x7] =	stream.linear.gather [hbm4b:s26+s4], $0xD00, $0x38;
	[tilespmem:$0x1D980] =	vst v63  }
0x64: {  	_ =	swait.ge [sflag:s30], $0xD00  }
0x65: {  	[sflag:s30] =	ssyncset.done $0x0  }
0x66: {  	s28 =	sadd.s32 s7, s20;
	[sflag:s30] =	ssyncadd.s32 $0xFFFFF300  }
0x67: {  	[tilespmem:s31], [sflag:$0x7] =	stream.linear.gather [hbm4b:s28+s4], $0xD00, $0x38;
	[tilespmem:$0x1D980] =	vst v63  }
0x68: {  	_ =	swait.ge [sflag:s30], $0xD00  }
0x69: {  	[sflag:s30] =	ssyncset.done $0x0  }
0x6a: {  	s25 =	smul.u32 $0x1A, s24;
	p1 =	sne.s32 s24, $0x0;
	[sflag:s30] =	ssyncadd.s32 $0xFFFFF300  }
0x6b: {  	[tilespmem:s5], [sflag:$0x1] =	stream.indirect.gather [hbm4b:s1+s0], $0x80, s4, s0, $0xb8;
	[tilespmem:$0x1D980] =	vst v63  }
0x6c: {  	s16 =	simm.s32 @!p1 $0x0;
	s20 =	simm.s32 @!p1 $0x6100;
	s26 =	simm.s32 $0x0  }
0x6d: {  	[tilespmem:s20], [sflag:$0x3] =	stream.linear.gather @!p1 [hbm4b:s18+s16], $0x2000, $0x38;
	[tilespmem:$0x1D980] =	vst v63  }
.LBB2_5:
0x6e: {  	s21 =	sshllo.u32 s26, $0x1  }
0x6f: {  	s20 =	sshll.u32 s21, $0x7  }
0x70: {  	[tilespmem:s9], [sflag:$0x2] =	stream.indirect.gather [hbm4b:s1+s0], $0x80, s20, s0, $0xb8;
	[tilespmem:$0x1D980] =	vst v63  }
0x71: {  	_ =	swait.ge [sflag:s10], $0x2000  }
0x72: {  	[sflag:s10] =	ssyncset.done $0x0  }
0x73: {  	[sflag:s10] =	ssyncadd.s32 $0xFFFFE000  }
0x74: {  	_ =	swait.ge [sflag:s11], $0x2000  }
0x75: {  	[sflag:s11] =	ssyncset.done $0x0  }
0x76: {  	s22 =	simm.s32 $0x0;
	[sflag:s11] =	ssyncadd.s32 $0xFFFFE000  }
0x77: {  	v7 =	vld [tilespmem:s22+$0x2100]  }
0x78: {  	v8 =	vld [tilespmem:s22+$0x2110]  }
0x79: {  	v9 =	vld [tilespmem:s22+$0x2120]  }
0x7a: {  	v10 =	vld [tilespmem:s22+$0x2130]  }
0x7b: {  	v11 =	vld [tilespmem:s22+$0x2140]  }
0x7c: {  	v12 =	vld [tilespmem:s22+$0x2150]  }
0x7d: {  	v13 =	vld [tilespmem:s22+$0x2160]  }
0x7e: {  	v14 =	vld [tilespmem:s22+$0x2170]  }
0x7f: {  	v15 =	vld [tilespmem:s22+$0x2180]  }
0x80: {  	v16 =	vld [tilespmem:s22+$0x2190]  }
0x81: {  	v6 =	vld [tilespmem:s22+$0x21A0]  }
0x82: {  	v5 =	vld [tilespmem:s22+$0x21B0]  }
0x83: {  	v4 =	vld [tilespmem:s22+$0x21C0]  }
0x84: {  	v17 =	vld [tilespmem:s22+$0x6100]  }
0x85: {  	v18 =	vld [tilespmem:s22+$0x6110]  }
0x86: {  	v3 =	vld [tilespmem:s22+$0x21D0]  }
0x87: {  	v19 =	vld [tilespmem:s22+$0x6120]  }
0x88: {  	v20 =	vld [tilespmem:s22+$0x6130]  }
0x89: {  	v2 =	vld [tilespmem:s22+$0x21E0];
	v7 =	vadd.f32 v17, v7  }
0x8a: {  	v21 =	vld [tilespmem:s22+$0x6140];
	v8 =	vadd.f32 v18, v8  }
0x8b: {  	v60 =	vld [tilespmem:s22+$0x6150];
	v7 =	vmax.f32 v7, $0.0e+00  }
0x8c: {  	v1 =	vld [tilespmem:s22+$0x21F0];
	v8 =	vmax.f32 v8, $0.0e+00;
	[tilespmem:s22+$0x6100] =	vst v7;
	v7 =	vadd.f32 v19, v9  }
0x8d: {  	v22 =	vld [tilespmem:s22+$0x6160];
	[tilespmem:s22+$0x6110] =	vst v8;
	v8 =	vadd.f32 v20, v10  }
0x8e: {  	v61 =	vld [tilespmem:s22+$0x6170];
	v7 =	vmax.f32 v7, $0.0e+00  }
0x8f: {  	v62 =	vld [tilespmem:s22+$0x6180];
	v9 =	vmax.f32 v8, $0.0e+00;
	[tilespmem:s22+$0x6120] =	vst v7;
	v7 =	vadd.f32 v21, v11  }
0x90: {  	v63 =	vld [tilespmem:s22+$0x6190];
	[tilespmem:s22+$0x6130] =	vst v9;
	v9 =	vadd.f32 v60, v12  }
0x91: {  	v8 =	vld [tilespmem:s22+$0x61A0];
	v10 =	vmax.f32 v7, $0.0e+00  }
0x92: {  	v7 =	vld [tilespmem:s22+$0x61B0];
	v11 =	vmax.f32 v9, $0.0e+00;
	[tilespmem:s22+$0x6140] =	vst v10;
	v10 =	vadd.f32 v22, v13  }
0x93: {  	v9 =	vld [tilespmem:s22+$0x61C0];
	[tilespmem:s22+$0x6150] =	vst v11;
	v11 =	vadd.f32 v61, v14  }
0x94: {  	v13 =	vadd.f32 v62, v15;
	v12 =	vmax.f32 v10, $0.0e+00;
	v10 =	vld [tilespmem:s22+$0x61D0]  }
0x95: {  	s16 =	sshll.u32 s26, $0x1;
	s28 =	simm.s32 $0x400;
	v14 =	vmax.f32 v11, $0.0e+00;
	v11 =	vld [tilespmem:s22+$0x61E0];
	[tilespmem:s22+$0x6160] =	vst v12;
	v12 =	vadd.f32 v63, v16  }
.LBB2_6:
0x96: {  	s8 =	sshra.s32 s28, $0x2;
	p1 =	sne.s32 s28, $0x7C00;
	[tilespmem:s22+$0x6170] =	vst v14;
	v13 =	vmax.f32 v13, $0.0e+00;
	v6 =	vadd.f32 v8, v6;
	v8 =	vld [tilespmem:s22+$0x61F0]  }
0x97: {  	v14 =	vld [tilespmem:s8+$0x2100];
	[tilespmem:s22+$0x6180] =	vst v13;
	v12 =	vmax.f32 v12, $0.0e+00;
	v5 =	vadd.f32 v7, v5  }
0x98: {  	v7 =	vld [tilespmem:s8+$0x2110];
	[tilespmem:s22+$0x6190] =	vst v12;
	v6 =	vmax.f32 v6, $0.0e+00;
	v4 =	vadd.f32 v9, v4  }
0x99: {  	v9 =	vld [tilespmem:s8+$0x2120];
	[tilespmem:s22+$0x61A0] =	vst v6;
	v5 =	vmax.f32 v5, $0.0e+00;
	v3 =	vadd.f32 v10, v3  }
0x9a: {  	v10 =	vld [tilespmem:s8+$0x2130];
	[tilespmem:s22+$0x61B0] =	vst v5;
	v4 =	vmax.f32 v4, $0.0e+00;
	v2 =	vadd.f32 v11, v2  }
0x9b: {  	v11 =	vld [tilespmem:s8+$0x2140];
	[tilespmem:s22+$0x61C0] =	vst v4;
	v3 =	vmax.f32 v3, $0.0e+00;
	v1 =	vadd.f32 v8, v1  }
0x9c: {  	v8 =	vld [tilespmem:s8+$0x2150];
	[tilespmem:s22+$0x61D0] =	vst v3;
	v2 =	vmax.f32 v2, $0.0e+00  }
0x9d: {  	v12 =	vld [tilespmem:s8+$0x2160];
	[tilespmem:s22+$0x61E0] =	vst v2;
	v1 =	vmax.f32 v1, $0.0e+00  }
0x9e: {  	v13 =	vld [tilespmem:s8+$0x2170];
	[tilespmem:s22+$0x61F0] =	vst v1;
	s22 =	smov.u32 s8  }
0x9f: {  	v15 =	vld [tilespmem:s22+$0x2180]  }
0xa0: {  	v16 =	vld [tilespmem:s22+$0x2190]  }
0xa1: {  	v6 =	vld [tilespmem:s22+$0x21A0]  }
0xa2: {  	v5 =	vld [tilespmem:s22+$0x21B0]  }
0xa3: {  	v4 =	vld [tilespmem:s22+$0x21C0]  }
0xa4: {  	v3 =	vld [tilespmem:s22+$0x21D0]  }
0xa5: {  	v2 =	vld [tilespmem:s22+$0x21E0]  }
0xa6: {  	v1 =	vld [tilespmem:s22+$0x21F0]  }
0xa7: {  	v17 =	vld [tilespmem:s22+$0x6100]  }
0xa8: {  	v18 =	vld [tilespmem:s22+$0x6110]  }
0xa9: {  	v19 =	vld [tilespmem:s22+$0x6120]  }
0xaa: {  	v20 =	vld [tilespmem:s22+$0x6130]  }
0xab: {  	v21 =	vld [tilespmem:s22+$0x6140]  }
0xac: {  	v14 =	vadd.f32 v17, v14;
	v17 =	vld [tilespmem:s22+$0x6150]  }
0xad: {  	v7 =	vadd.f32 v18, v7;
	v18 =	vld [tilespmem:s22+$0x6160]  }
0xae: {  	v14 =	vmax.f32 v14, $0.0e+00;
	v9 =	vadd.f32 v19, v9;
	v19 =	vld [tilespmem:s22+$0x6170]  }
0xaf: {  	[tilespmem:s22+$0x6100] =	vst v14;
	v7 =	vmax.f32 v7, $0.0e+00;
	v10 =	vadd.f32 v20, v10;
	v14 =	vld [tilespmem:s22+$0x6180]  }
0xb0: {  	[tilespmem:s22+$0x6110] =	vst v7;
	v7 =	vmax.f32 v9, $0.0e+00;
	v9 =	vadd.f32 v21, v11;
	v11 =	vld [tilespmem:s22+$0x6190]  }
.Ltmp1:
0xb1: {  	[tilespmem:s22+$0x6120] =	vst v7;
	v7 =	vmax.f32 v10, $0.0e+00;
	v10 =	vadd.f32 v17, v8;
	v8 =	vld [tilespmem:s22+$0x61A0];
	(pc) =	sbr.rel @p1 .LBB2_6-.Ltmp1, $4  }
0xb2: {  	[tilespmem:s22+$0x6130] =	vst v7;
	v9 =	vmax.f32 v9, $0.0e+00;
	v12 =	vadd.f32 v18, v12;
	v7 =	vld [tilespmem:s22+$0x61B0]  }
0xb3: {  	[tilespmem:s22+$0x6140] =	vst v9;
	v10 =	vmax.f32 v10, $0.0e+00;
	v17 =	vadd.f32 v19, v13;
	v9 =	vld [tilespmem:s22+$0x61C0]  }
0xb4: {  	[tilespmem:s22+$0x6150] =	vst v10;
	v12 =	vmax.f32 v12, $0.0e+00;
	v13 =	vadd.f32 v14, v15;
	v10 =	vld [tilespmem:s22+$0x61D0]  }
0xb5: {  	s28 =	sadd.s32 $0x400, s28;
	[tilespmem:s22+$0x6160] =	vst v12;
	v14 =	vmax.f32 v17, $0.0e+00;
	v12 =	vadd.f32 v11, v16;
	v11 =	vld [tilespmem:s22+$0x61E0]  }
0xb6: {  	[tilespmem:s22+$0x6170] =	vst v14;
	v13 =	vmax.f32 v13, $0.0e+00;
	v6 =	vadd.f32 v8, v6;
	v8 =	vld [tilespmem:s22+$0x61F0]  }
0xb7: {  	[tilespmem:s22+$0x6180] =	vst v13;
	v12 =	vmax.f32 v12, $0.0e+00;
	v5 =	vadd.f32 v7, v5  }
0xb8: {  	[tilespmem:s22+$0x6190] =	vst v12;
	v6 =	vmax.f32 v6, $0.0e+00;
	v4 =	vadd.f32 v9, v4  }
0xb9: {  	[tilespmem:s22+$0x61A0] =	vst v6;
	v5 =	vmax.f32 v5, $0.0e+00;
	v3 =	vadd.f32 v10, v3  }
0xba: {  	[tilespmem:s22+$0x61B0] =	vst v5;
	v4 =	vmax.f32 v4, $0.0e+00;
	v2 =	vadd.f32 v11, v2  }
0xbb: {  	[tilespmem:s22+$0x61C0] =	vst v4;
	v3 =	vmax.f32 v3, $0.0e+00;
	v1 =	vadd.f32 v8, v1  }
0xbc: {  	[tilespmem:s22+$0x61D0] =	vst v3;
	v2 =	vmax.f32 v2, $0.0e+00  }
0xbd: {  	s8 =	sadd.s32 s25, s16;
	p1 =	seq.s32 s26, $0x0;
	[tilespmem:s22+$0x61E0] =	vst v2;
	v1 =	vmax.f32 v1, $0.0e+00  }
0xbe: {  	s16 =	simm.s32 @!p1 $0x6;
	s8 =	sshll.u32 s8, $0xD;
	[tilespmem:s22+$0x61F0] =	vst v1  }
0xbf: {  	s8 =	sadd.s32 s8, s19;
	_ =	swait.ge @!p1 [sflag:s16], $0x2000  }
0xc0: {  	s8 =	sshrl.u32 s8, $0x3;
	[sflag:s16] =	ssyncset.done @!p1 $0x0  }
0xc1: {  	s8 =	sadd.s32 s2, s8;
	[sflag:s16] =	ssyncadd.s32 @!p1 $0xFFFFE000  }
0xc2: {  	[tilespmem:s12], [sflag:$0x4] =	stream.linear.gather [hbm4b:s8+s4], $0x2000, $0x38;
	[tilespmem:$0x1D980] =	vst v63  }
0xc3: {  	s8 =	sshll.u32 s26, $0xA  }
0xc4: {  	p1 =	seq.s32 s26, $0xC;
	s28 =	sshrl.u32 s8, $0x2  }
0xc5: {  	s8 =	sshrl.u32 @!p1 s8, $0x2;
	s16 =	sadd.s32 $0x1000, s28  }
0xc6: {  	[spmem:s3] =	stream.indirect.scatter.add.f32 [tilespmem:s29], [sflag:$0x5], $0x80, s16, s0, $0xb8;
	[tilespmem:$0x1D980] =	vst v63  }
0xc7: {  	s22 =	simm.s32 @!p1 $0x2100;
	s8 =	sadd.s32 @!p1 $0x100, s8;
	s16 =	simm.s32 @!p1 $0x40  }
0xc8: {  	[tilespmem:s22], [sflag:$0x1] =	stream.indirect.gather @!p1 [hbm4b:s1+s16], $0x80, s8, s16, $0xb8;
	[tilespmem:$0x1D980] =	vst v63  }
0xc9: {  	_ =	swait.ge [sflag:s13], $0x2000  }
0xca: {  	[sflag:s13] =	ssyncset.done $0x0  }
0xcb: {  	[sflag:s13] =	ssyncadd.s32 $0xFFFFE000  }
0xcc: {  	_ =	swait.ge [sflag:s14], $0x2000  }
0xcd: {  	[sflag:s14] =	ssyncset.done $0x0  }
0xce: {  	s22 =	simm.s32 $0x0;
	[sflag:s14] =	ssyncadd.s32 $0xFFFFE000  }
0xcf: {  	v7 =	vld [tilespmem:s22+$0x4100]  }
0xd0: {  	v8 =	vld [tilespmem:s22+$0x4110]  }
0xd1: {  	v9 =	vld [tilespmem:s22+$0x4120]  }
0xd2: {  	v10 =	vld [tilespmem:s22+$0x4130]  }
0xd3: {  	v11 =	vld [tilespmem:s22+$0x4140]  }
0xd4: {  	v12 =	vld [tilespmem:s22+$0x4150]  }
0xd5: {  	v13 =	vld [tilespmem:s22+$0x4160]  }
0xd6: {  	v14 =	vld [tilespmem:s22+$0x4170]  }
0xd7: {  	v15 =	vld [tilespmem:s22+$0x4180]  }
0xd8: {  	v16 =	vld [tilespmem:s22+$0x4190]  }
0xd9: {  	v6 =	vld [tilespmem:s22+$0x41A0]  }
0xda: {  	v5 =	vld [tilespmem:s22+$0x41B0]  }
0xdb: {  	v4 =	vld [tilespmem:s22+$0x41C0]  }
0xdc: {  	v17 =	vld [tilespmem:s22+$0x8100]  }
0xdd: {  	v18 =	vld [tilespmem:s22+$0x8110]  }
0xde: {  	v3 =	vld [tilespmem:s22+$0x41D0]  }
0xdf: {  	v19 =	vld [tilespmem:s22+$0x8120]  }
0xe0: {  	v20 =	vld [tilespmem:s22+$0x8130]  }
0xe1: {  	v2 =	vld [tilespmem:s22+$0x41E0];
	v7 =	vadd.f32 v17, v7  }
0xe2: {  	v21 =	vld [tilespmem:s22+$0x8140];
	v8 =	vadd.f32 v18, v8  }
0xe3: {  	v60 =	vld [tilespmem:s22+$0x8150];
	v7 =	vmax.f32 v7, $0.0e+00  }
0xe4: {  	v1 =	vld [tilespmem:s22+$0x41F0];
	v8 =	vmax.f32 v8, $0.0e+00;
	[tilespmem:s22+$0x8100] =	vst v7;
	v7 =	vadd.f32 v19, v9  }
0xe5: {  	v22 =	vld [tilespmem:s22+$0x8160];
	[tilespmem:s22+$0x8110] =	vst v8;
	v8 =	vadd.f32 v20, v10  }
0xe6: {  	v61 =	vld [tilespmem:s22+$0x8170];
	v7 =	vmax.f32 v7, $0.0e+00  }
0xe7: {  	v62 =	vld [tilespmem:s22+$0x8180];
	v9 =	vmax.f32 v8, $0.0e+00;
	[tilespmem:s22+$0x8120] =	vst v7;
	v7 =	vadd.f32 v21, v11  }
0xe8: {  	v63 =	vld [tilespmem:s22+$0x8190];
	[tilespmem:s22+$0x8130] =	vst v9;
	v9 =	vadd.f32 v60, v12  }
0xe9: {  	v8 =	vld [tilespmem:s22+$0x81A0];
	v10 =	vmax.f32 v7, $0.0e+00  }
0xea: {  	v7 =	vld [tilespmem:s22+$0x81B0];
	v11 =	vmax.f32 v9, $0.0e+00;
	[tilespmem:s22+$0x8140] =	vst v10;
	v10 =	vadd.f32 v22, v13  }
0xeb: {  	v9 =	vld [tilespmem:s22+$0x81C0];
	[tilespmem:s22+$0x8150] =	vst v11;
	v11 =	vadd.f32 v61, v14  }
0xec: {  	v13 =	vadd.f32 v62, v15;
	v12 =	vmax.f32 v10, $0.0e+00;
	v10 =	vld [tilespmem:s22+$0x81D0]  }
0xed: {  	s21 =	sadd.s32 s25, s21;
	s16 =	simm.s32 $0x400;
	v14 =	vmax.f32 v11, $0.0e+00;
	v11 =	vld [tilespmem:s22+$0x81E0];
	[tilespmem:s22+$0x8160] =	vst v12;
	v12 =	vadd.f32 v63, v16  }
.LBB2_8:
0xee: {  	s8 =	sshra.s32 s16, $0x2;
	p1 =	sne.s32 s16, $0x7C00;
	[tilespmem:s22+$0x8170] =	vst v14;
	v13 =	vmax.f32 v13, $0.0e+00;
	v6 =	vadd.f32 v8, v6;
	v8 =	vld [tilespmem:s22+$0x81F0]  }
0xef: {  	v14 =	vld [tilespmem:s8+$0x4100];
	[tilespmem:s22+$0x8180] =	vst v13;
	v12 =	vmax.f32 v12, $0.0e+00;
	v5 =	vadd.f32 v7, v5  }
0xf0: {  	v7 =	vld [tilespmem:s8+$0x4110];
	[tilespmem:s22+$0x8190] =	vst v12;
	v6 =	vmax.f32 v6, $0.0e+00;
	v4 =	vadd.f32 v9, v4  }
0xf1: {  	v9 =	vld [tilespmem:s8+$0x4120];
	[tilespmem:s22+$0x81A0] =	vst v6;
	v5 =	vmax.f32 v5, $0.0e+00;
	v3 =	vadd.f32 v10, v3  }
0xf2: {  	v10 =	vld [tilespmem:s8+$0x4130];
	[tilespmem:s22+$0x81B0] =	vst v5;
	v4 =	vmax.f32 v4, $0.0e+00;
	v2 =	vadd.f32 v11, v2  }
0xf3: {  	v11 =	vld [tilespmem:s8+$0x4140];
	[tilespmem:s22+$0x81C0] =	vst v4;
	v3 =	vmax.f32 v3, $0.0e+00;
	v1 =	vadd.f32 v8, v1  }
0xf4: {  	v8 =	vld [tilespmem:s8+$0x4150];
	[tilespmem:s22+$0x81D0] =	vst v3;
	v2 =	vmax.f32 v2, $0.0e+00  }
0xf5: {  	v12 =	vld [tilespmem:s8+$0x4160];
	[tilespmem:s22+$0x81E0] =	vst v2;
	v1 =	vmax.f32 v1, $0.0e+00  }
0xf6: {  	v13 =	vld [tilespmem:s8+$0x4170];
	[tilespmem:s22+$0x81F0] =	vst v1;
	s22 =	smov.u32 s8  }
0xf7: {  	v15 =	vld [tilespmem:s22+$0x4180]  }
0xf8: {  	v16 =	vld [tilespmem:s22+$0x4190]  }
0xf9: {  	v6 =	vld [tilespmem:s22+$0x41A0]  }
0xfa: {  	v5 =	vld [tilespmem:s22+$0x41B0]  }
0xfb: {  	v4 =	vld [tilespmem:s22+$0x41C0]  }
0xfc: {  	v3 =	vld [tilespmem:s22+$0x41D0]  }
0xfd: {  	v2 =	vld [tilespmem:s22+$0x41E0]  }
0xfe: {  	v1 =	vld [tilespmem:s22+$0x41F0]  }
0xff: {  	v17 =	vld [tilespmem:s22+$0x8100]  }
0x100: {  	v18 =	vld [tilespmem:s22+$0x8110]  }
0x101: {  	v19 =	vld [tilespmem:s22+$0x8120]  }
0x102: {  	v20 =	vld [tilespmem:s22+$0x8130]  }
0x103: {  	v21 =	vld [tilespmem:s22+$0x8140]  }
0x104: {  	v14 =	vadd.f32 v17, v14;
	v17 =	vld [tilespmem:s22+$0x8150]  }
0x105: {  	v7 =	vadd.f32 v18, v7;
	v18 =	vld [tilespmem:s22+$0x8160]  }
0x106: {  	v14 =	vmax.f32 v14, $0.0e+00;
	v9 =	vadd.f32 v19, v9;
	v19 =	vld [tilespmem:s22+$0x8170]  }
0x107: {  	[tilespmem:s22+$0x8100] =	vst v14;
	v7 =	vmax.f32 v7, $0.0e+00;
	v10 =	vadd.f32 v20, v10;
	v14 =	vld [tilespmem:s22+$0x8180]  }
0x108: {  	[tilespmem:s22+$0x8110] =	vst v7;
	v7 =	vmax.f32 v9, $0.0e+00;
	v9 =	vadd.f32 v21, v11;
	v11 =	vld [tilespmem:s22+$0x8190]  }
.Ltmp2:
0x109: {  	[tilespmem:s22+$0x8120] =	vst v7;
	v7 =	vmax.f32 v10, $0.0e+00;
	v10 =	vadd.f32 v17, v8;
	v8 =	vld [tilespmem:s22+$0x81A0];
	(pc) =	sbr.rel @p1 .LBB2_8-.Ltmp2, $4  }
0x10a: {  	[tilespmem:s22+$0x8130] =	vst v7;
	v9 =	vmax.f32 v9, $0.0e+00;
	v12 =	vadd.f32 v18, v12;
	v7 =	vld [tilespmem:s22+$0x81B0]  }
0x10b: {  	[tilespmem:s22+$0x8140] =	vst v9;
	v10 =	vmax.f32 v10, $0.0e+00;
	v17 =	vadd.f32 v19, v13;
	v9 =	vld [tilespmem:s22+$0x81C0]  }
0x10c: {  	[tilespmem:s22+$0x8150] =	vst v10;
	v12 =	vmax.f32 v12, $0.0e+00;
	v13 =	vadd.f32 v14, v15;
	v10 =	vld [tilespmem:s22+$0x81D0]  }
0x10d: {  	s16 =	sadd.s32 $0x400, s16;
	[tilespmem:s22+$0x8160] =	vst v12;
	v14 =	vmax.f32 v17, $0.0e+00;
	v12 =	vadd.f32 v11, v16;
	v11 =	vld [tilespmem:s22+$0x81E0]  }
0x10e: {  	[tilespmem:s22+$0x8170] =	vst v14;
	v13 =	vmax.f32 v13, $0.0e+00;
	v6 =	vadd.f32 v8, v6;
	v63 =	vld [tilespmem:s22+$0x81F0]  }
0x10f: {  	[tilespmem:s22+$0x8180] =	vst v13;
	v12 =	vmax.f32 v12, $0.0e+00;
	v5 =	vadd.f32 v7, v5  }
0x110: {  	[tilespmem:s22+$0x8190] =	vst v12;
	v6 =	vmax.f32 v6, $0.0e+00;
	v4 =	vadd.f32 v9, v4  }
0x111: {  	[tilespmem:s22+$0x81A0] =	vst v6;
	v5 =	vmax.f32 v5, $0.0e+00;
	v3 =	vadd.f32 v10, v3  }
0x112: {  	[tilespmem:s22+$0x81B0] =	vst v5;
	v4 =	vmax.f32 v4, $0.0e+00;
	v2 =	vadd.f32 v11, v2  }
0x113: {  	[tilespmem:s22+$0x81C0] =	vst v4;
	v3 =	vmax.f32 v3, $0.0e+00;
	v1 =	vadd.f32 v63, v1  }
0x114: {  	[tilespmem:s22+$0x81D0] =	vst v3;
	v2 =	vmax.f32 v2, $0.0e+00  }
0x115: {  	p1 =	sgt.u32 s21, $0x9A;
	[tilespmem:s22+$0x81E0] =	vst v2;
	v1 =	vmax.f32 v1, $0.0e+00  }
0x116: {  	s8 =	sshll.u32 @!p1 s21, $0xD;
	[tilespmem:s22+$0x81F0] =	vst v1  }
0x117: {  	s26 =	sadd.s32 $0x1, s26;
	s8 =	sadd.s32 @!p1 s8, s19;
	_ =	swait.ge [sflag:s15], $0x2000  }
0x118: {  	s16 =	simm.s32 @!p1 $0x0;
	s8 =	sshrl.u32 @!p1 s8, $0x3;
	[sflag:s15] =	ssyncset.done $0x0  }
0x119: {  	s21 =	simm.s32 @!p1 $0x6100;
	s8 =	sadd.s32 @!p1 s2, s8;
	[sflag:s15] =	ssyncadd.s32 $0xFFFFE000  }
0x11a: {  	[tilespmem:s21], [sflag:$0x3] =	stream.linear.gather @!p1 [hbm4b:s8+s16], $0x2000, $0x38;
	[tilespmem:$0x1D980] =	vst v63  }
0x11b: {  	p1 =	sne.s32 s26, $0xD  }
.Ltmp3:
0x11c: {  	_ = 	snop;
	(pc) =	sbr.rel @p1 .LBB2_5-.Ltmp3, $3  }
0x11d: {  	_ =	sdelay $0x1  }
0x11e: {  	s28 =	sadd.s32 $0x1000, s20  }
0x11f: {  	[spmem:s3] =	stream.indirect.scatter.add.f32 [tilespmem:s12], [sflag:$0x6], $0x80, s28, s0, $0xb8;
	[tilespmem:$0x1D980] =	vst v63  }
0x120: {  	s24 =	sadd.s32 $0x1, s24  }
0x121: {  	p1 =	sne.s32 s24, $0x6  }
.Ltmp4:
0x122: {  	_ = 	snop;
	(pc) =	sbr.rel @p1 .LBB2_4-.Ltmp4, $1  }
0x123: {  	_ =	sdelay $0x3  }
0x124: {  	s8 =	simm.s32 $0x6  }
0x125: {  	_ =	swait.ge [sflag:s8], $0x2000  }
0x126: {  	s25 =	simm.s32 $0x0;
	[sflag:s8] =	ssyncset.done $0x0  }
0x127: {  	s20 =	simm.s32 $0x2000;
	s16 =	rddreg [dreg:$0xf];
	[sflag:s8] =	ssyncadd.s32 $0xFFFFE000  }
0x128: {  	[tilespmem:s20], [sflag:$0x7] =	stream.linear.gather [hbm4b:s16+s25], $0x80, $0x38;
	[tilespmem:$0x1D980] =	vst v63  }
0x129: {  	_ =	swait.ge [sflag:s30], $0x80  }
0x12a: {  	[sflag:s30] =	ssyncset.done $0x0  }
0x12b: {  	s21 =	simm.s32 $0x2080;
	s26 =	rddreg [dreg:$0x10];
	[sflag:s30] =	ssyncadd.s32 $0xFFFFFF80  }
0x12c: {  	[tilespmem:s21], [sflag:$0x7] =	stream.linear.gather [hbm4b:s26+s25], $0x80, $0x38;
	[tilespmem:$0x1D980] =	vst v63  }
0x12d: {  	_ =	swait.ge [sflag:s30], $0x80  }
0x12e: {  	[sflag:s30] =	ssyncset.done $0x0  }
0x12f: {  	s22 =	simm.s32 $0x10;
	[sflag:s30] =	ssyncadd.s32 $0xFFFFFF80  }
0x130: {  	[tilespmem:s5], [sflag:$0x1] =	stream.indirect.gather [hbm4b:s1+s22], $0x80, s20, s22, $0xb8;
	[tilespmem:$0x1D980] =	vst v63  }
0x131: {  	s28 =	rddreg [dreg:$0x11]  }
0x132: {  	[tilespmem:s29], [sflag:$0x7] =	stream.linear.gather [hbm4b:s28+s25], $0x800, $0x38;
	[tilespmem:$0x1D980] =	vst v63  }
0x133: {  	_ =	swait.ge [sflag:s30], $0x800  }
0x134: {  	[sflag:s30] =	ssyncset.done $0x0  }
0x135: {  	[sflag:s30] =	ssyncadd.s32 $0xFFFFF800  }
0x136: {  	_ =	swait.ge [sflag:s10], $0x800  }
0x137: {  	[sflag:s10] =	ssyncset.done $0x0  }
0x138: {  	s16 =	simm.s32 $0x0;
	[sflag:s10] =	ssyncadd.s32 $0xFFFFF800  }
0x139: {  	v7 =	vld [tilespmem:s16+$0x2100]  }
0x13a: {  	v12 =	vld [tilespmem:s16+$0x2110]  }
0x13b: {  	v6 =	vld [tilespmem:s16+$0x2120]  }
0x13c: {  	v5 =	vld [tilespmem:s16+$0x2130]  }
0x13d: {  	v4 =	vld [tilespmem:s16+$0x2140]  }
0x13e: {  	v3 =	vld [tilespmem:s16+$0x2150]  }
0x13f: {  	v2 =	vld [tilespmem:s16+$0x2160]  }
0x140: {  	v1 =	vld [tilespmem:s16+$0x2170]  }
0x141: {  	v13 =	vld [tilespmem:s16+$0x6100]  }
0x142: {  	v14 =	vld [tilespmem:s16+$0x6110]  }
0x143: {  	v11 =	vld [tilespmem:s16+$0x6120]  }
0x144: {  	v10 =	vld [tilespmem:s16+$0x6130]  }
0x145: {  	v9 =	vld [tilespmem:s16+$0x6140]  }
0x146: {  	v8 =	vld [tilespmem:s16+$0x6150];
	v13 =	vadd.f32 v13, v7  }
0x147: {  	s20 =	simm.s32 $0x200;
	v12 =	vadd.f32 v14, v12;
	v7 =	vld [tilespmem:s16+$0x6160]  }
.LBB2_12:
0x148: {  	s8 =	sshra.s32 s20, $0x2;
	p1 =	sne.s32 s20, $0x1E00;
	v13 =	vmax.f32 v13, $0.0e+00;
	v6 =	vadd.f32 v11, v6;
	v11 =	vld [tilespmem:s16+$0x6170]  }
0x149: {  	v14 =	vld [tilespmem:s8+$0x2100];
	[tilespmem:s16+$0x6100] =	vst v13;
	v12 =	vmax.f32 v12, $0.0e+00;
	v5 =	vadd.f32 v10, v5  }
0x14a: {  	v15 =	vld [tilespmem:s8+$0x2110];
	[tilespmem:s16+$0x6110] =	vst v12;
	v10 =	vmax.f32 v6, $0.0e+00;
	v4 =	vadd.f32 v9, v4  }
0x14b: {  	v6 =	vld [tilespmem:s8+$0x2120];
	[tilespmem:s16+$0x6120] =	vst v10;
	v9 =	vmax.f32 v5, $0.0e+00;
	v3 =	vadd.f32 v8, v3  }
0x14c: {  	v5 =	vld [tilespmem:s8+$0x2130];
	[tilespmem:s16+$0x6130] =	vst v9;
	v8 =	vmax.f32 v4, $0.0e+00;
	v2 =	vadd.f32 v7, v2  }
0x14d: {  	v4 =	vld [tilespmem:s8+$0x2140];
	[tilespmem:s16+$0x6140] =	vst v8;
	v7 =	vmax.f32 v3, $0.0e+00;
	v1 =	vadd.f32 v11, v1  }
0x14e: {  	v3 =	vld [tilespmem:s8+$0x2150];
	[tilespmem:s16+$0x6150] =	vst v7;
	v7 =	vmax.f32 v2, $0.0e+00  }
0x14f: {  	v2 =	vld [tilespmem:s8+$0x2160];
	[tilespmem:s16+$0x6160] =	vst v7;
	v7 =	vmax.f32 v1, $0.0e+00  }
0x150: {  	v1 =	vld [tilespmem:s8+$0x2170];
	[tilespmem:s16+$0x6170] =	vst v7;
	s16 =	smov.u32 s8  }
0x151: {  	v7 =	vld [tilespmem:s16+$0x6100]  }
0x152: {  	v12 =	vld [tilespmem:s16+$0x6110]  }
.Ltmp5:
0x153: {  	v11 =	vld [tilespmem:s16+$0x6120];
	(pc) =	sbr.rel @p1 .LBB2_12-.Ltmp5, $4  }
0x154: {  	v10 =	vld [tilespmem:s16+$0x6130]  }
0x155: {  	v9 =	vld [tilespmem:s16+$0x6140]  }
0x156: {  	v13 =	vadd.f32 v7, v14;
	v8 =	vld [tilespmem:s16+$0x6150]  }
0x157: {  	s20 =	sadd.s32 $0x200, s20;
	v12 =	vadd.f32 v12, v15;
	v7 =	vld [tilespmem:s16+$0x6160]  }
0x158: {  	v13 =	vmax.f32 v13, $0.0e+00;
	v6 =	vadd.f32 v11, v6;
	v63 =	vld [tilespmem:s16+$0x6170]  }
0x159: {  	[tilespmem:s16+$0x6100] =	vst v13;
	v12 =	vmax.f32 v12, $0.0e+00;
	v5 =	vadd.f32 v10, v5  }
0x15a: {  	[tilespmem:s16+$0x6110] =	vst v12;
	v6 =	vmax.f32 v6, $0.0e+00;
	v4 =	vadd.f32 v9, v4  }
0x15b: {  	[tilespmem:s16+$0x6120] =	vst v6;
	v5 =	vmax.f32 v5, $0.0e+00;
	v3 =	vadd.f32 v8, v3  }
0x15c: {  	[tilespmem:s16+$0x6130] =	vst v5;
	v4 =	vmax.f32 v4, $0.0e+00;
	v2 =	vadd.f32 v7, v2  }
0x15d: {  	[tilespmem:s16+$0x6140] =	vst v4;
	v3 =	vmax.f32 v3, $0.0e+00;
	v1 =	vadd.f32 v63, v1  }
0x15e: {  	[tilespmem:s16+$0x6150] =	vst v3;
	v2 =	vmax.f32 v2, $0.0e+00  }
0x15f: {  	[tilespmem:s16+$0x6160] =	vst v2;
	v1 =	vmax.f32 v1, $0.0e+00  }
0x160: {  	[tilespmem:s16+$0x6170] =	vst v1  }
0x161: {  	[spmem:s3] =	stream.indirect.scatter.add.f32 [tilespmem:s29], [sflag:$0x7], $0x80, s21, s22, $0xb8;
	[tilespmem:$0x1D980] =	vst v63  }
0x162: {  	_ =	swait.ge [sflag:s30], $0x800  }
0x163: {  	[sflag:s30] =	ssyncset.done $0x0  }
0x164: {  	[sflag:s30] =	ssyncadd.s32 $0xFFFFF800  }
0x165: {  	s8 =	stileid.u32;
	[bflag:$0x0] =	sbarrier.arrive $0xFFFF  }
0x166: {  	s8 =	sshll.u32 s8, $0x6;
	s21 =	rddreg [dreg:$0x5]  }
0x167: {  	s8 =	sor.u32 $0x1C07, s8;
	s20 =	rddreg [dreg:$0xe];
	s26 =	sshrl.u32 s21, $0x3  }
0x168: {  	[hbm:s20], [sflag:s8] =	dma.local [spmem:s26], $0x2700  }
0x169: {  	_ =	swait.ge [sflag:s30], $0x2700  }
0x16a: {  	[sflag:s30] =	ssyncset.done $0x0;
	s22 =	rddreg [dreg:$0x15]  }
0x16b: {  	s20 =	rddreg [dreg:$0x12];
	[sflag:s30] =	ssyncadd.s32 $0xFFFFD900;
	s16 =	sshrl.u32 @!p0 s22, $0x3  }
0x16c: {  	[hbm:s20], [sflag:s8] =	dma.local @!p0 [spmem:s16], $0x100  }
0x16d: {  	s8 =	simm.s32 @!p0 $0x7  }
0x16e: {  	_ =	swait.ge @!p0 [sflag:s8], $0x100  }
0x16f: {  	s23 =	sadd.s32 $0x1, s23;
	s28 =	rddreg [dreg:$0x13]  }
0x170: {  	p1 =	sne.s32 s23, s28  }
.Ltmp6:
0x171: {  	_ = 	snop;
	(pc) =	sbr.rel @p1 .LBB2_1-.Ltmp6, $3  }
0x172: {  	_ =	sdelay $0x1  }
0x173: {  	[sflag:s8] =	ssyncset.done @!p0 $0x0  }
0x174: {  	[sflag:s8] =	ssyncadd.s32 @!p0 $0xFFFFFF00  }
0x175: {  	_ =	sfence.sel $0x180000  }
0x176: {  	[bflag:$0x0] =	sbarrier.arrive $0xFFFF  }
0x177: {  	_ =	strace $0x90000047  }
0x178: {  	[bflag:$0x2] =	sbarrier.arrive $0xFFFF  }
0x179: {  	s0 =	rddreg [dreg:$0x4]  }
0x17a: {  	s0 =	sadd.s32 @!p0 $0x100000, s0  }
0x17b: {  	[sflag:s0] =	ssyncadd.tile.s32 @!p0 $0x1;
	_ =	shalt  }
.Lfunc_end2:
_tile_overlayer_lowered:
.L_overlay_start_2:
0x17c: {  	(tag) =	ssettag $0x2  }
0x17d: {  	s0 =	rddreg [dreg:$0x0];
	s2 =	stileid.u32  }
0x17e: {  	s1 =	rddreg [dreg:$0x1];
	p0 =	sne.s32 s2, $0x0  }
0x17f: {  	s3 =	rddreg [dreg:$0x2];
	[bflag:$0x3] =	sbarrier.arrive $0xFFFF;
	s2 =	simm.s32 @!p0 $0x1C07  }
0x180: {  	[timem:s3], [sflag:s2] =	dma.local @!p0 [hbm:s0], s1  }
0x181: {  	s0 =	simm.s32 @!p0 $0x7  }
0x182: {  	_ =	swait.ge @!p0 [sflag:s0], s1  }
0x183: {  	s1 =	ssub.s32 @!p0 $0x0, s1;
	[sflag:s0] =	ssyncset.done @!p0 $0x0  }
0x184: {  	[sflag:s0] =	ssyncadd.s32 @!p0 s1  }
0x185: {  	[bflag:$0x3] =	sbarrier.arrive $0xFFFF  }
0x186: {  	_ =	shalt  }

</sc_bundles>
